<compile_context>
chip_gen: v7x
topology: tpu7x:2x2x1
jax: 0.10.2.dev20260603
libtpu: 0.0.44.dev20260713+nightly
codegen_flags: <defaults>
</compile_context>

<pallas_src>
import functools

import jax
import jax.numpy as jnp
from jax import lax
from jax.experimental import pallas as pl
from jax.experimental.pallas import tpu as pltpu
from jax.experimental.pallas import tpu_sc as plsc

N = 10000
E = 320000
D_IN = 128
HID = 64
D_OUT = 128

NC = 2
NS = 16
NWORK = NC * NS
EPW = E // NWORK
WIN = 125
WPS = EPW // WIN
NBUF = 4
WMAIN = ((WPS - NBUF) // NBUF) * NBUF
N_PAD = 10240
RPS = N_PAD // NS
DEGW = 16
NH = N_PAD // 2
AP = NC * N_PAD * HID // 128
NER = E // 128

_mesh = plsc.VectorSubcoreMesh(core_axis_name="c", subcore_axis_name="s")
_sc_params = pltpu.CompilerParams(use_tc_tiling_on_sc=False)



DPS = NH // NS


@functools.partial(
    pl.kernel,
    out_type=jax.ShapeDtypeStruct((NC * NH, 128), jnp.float32),
    mesh=_mesh,
    scratch_types=[
        pltpu.VMEM((WPS, WIN), jnp.int32),
        pltpu.VMEM((WIN, DEGW), jnp.float32),
        pltpu.VMEM_SHARED((N_PAD, DEGW), jnp.float32),
        pltpu.VMEM((DPS, DEGW), jnp.float32),
        pltpu.VMEM((DPS, DEGW), jnp.float32),
        pltpu.VMEM((DPS, 128), jnp.float32),
    ],
    compiler_params=_sc_params,
)
def _deg_kernel(ei_hbm, vfull_hbm, zeros_hbm, out_hbm, dst_v, vfull, acc,
                st_lo, st_hi, st_out):
    c = lax.axis_index("c")
    s = lax.axis_index("s")
    wid = c * NS + s
    r0 = s * RPS
    pltpu.sync_copy(zeros_hbm.at[pl.ds(r0, RPS)], acc.at[pl.ds(r0, RPS)])
    pltpu.sync_copy(ei_hbm.at[1, wid], dst_v)
    pltpu.sync_copy(vfull_hbm, vfull)
    plsc.subcore_barrier()

    @pl.loop(0, WPS)
    def _(w):
        pltpu.sync_copy(vfull, acc.at[dst_v.at[w]], add=True)

    plsc.subcore_barrier()
    pltpu.sync_copy(acc.at[pl.ds(s * DPS, DPS)], st_lo)
    pltpu.sync_copy(acc.at[pl.ds(NH + s * DPS, DPS)], st_hi)

    @pl.loop(0, DPS)
    def _(r):
        lo = st_lo.at[r][...]
        hi = st_hi.at[r][...]
        for k in range(4):
            st_out.at[r, pl.ds(16 * k, 16)][...] = lo
            st_out.at[r, pl.ds(64 + 16 * k, 16)][...] = hi

    pltpu.sync_copy(st_out, out_hbm.at[pl.ds(c * NH + s * DPS, DPS)])


@functools.partial(
    pl.kernel,
    out_type=jax.ShapeDtypeStruct((NC * N_PAD, HID), jnp.float32),
    mesh=_mesh,
    scratch_types=[
        pltpu.VMEM((WPS, WIN), jnp.int32),
        pltpu.VMEM((WPS, WIN), jnp.int32),
    ] + [pltpu.VMEM((WIN, HID), jnp.float32) for _ in range(NBUF)] + [
        pltpu.VMEM_SHARED((N_PAD, HID), jnp.float32),
    ] + [pltpu.SemaphoreType.DMA for _ in range(NBUF)],
    compiler_params=_sc_params,
)
def _msg_kernel(hs_hbm, srcw_hbm, dstw_hbm, zeros_hbm, out_hbm,
                src_v, dst_v, *rest):
    bufs = rest[:NBUF]
    acc = rest[NBUF]
    gsem = rest[NBUF + 1:]
    c = lax.axis_index("c")
    s = lax.axis_index("s")
    wid = c * NS + s
    r0 = s * RPS
    pltpu.sync_copy(zeros_hbm.at[pl.ds(r0, RPS)], acc.at[pl.ds(r0, RPS)])
    pltpu.sync_copy(srcw_hbm.at[wid], src_v)
    pltpu.sync_copy(dstw_hbm.at[wid], dst_v)
    plsc.subcore_barrier()

    def _wait_gather(i):
        pltpu.make_async_copy(hs_hbm.at[pl.ds(0, WIN)], bufs[i], gsem[i]).wait()

    def _slot(w, i, issue):
        _wait_gather(i)
        pltpu.sync_copy(bufs[i], acc.at[dst_v.at[w]], add=True)
        if issue:
            pltpu.async_copy(hs_hbm.at[src_v.at[w + NBUF]], bufs[i], gsem[i])

    for i in range(NBUF):
        pltpu.async_copy(hs_hbm.at[src_v.at[i]], bufs[i], gsem[i])

    @pl.loop(0, WMAIN, step=NBUF)
    def _(w):
        for i in range(NBUF):
            _wait_gather(i)
            pltpu.sync_copy(bufs[i], acc.at[dst_v.at[w + i]], add=True)
            pltpu.async_copy(hs_hbm.at[src_v.at[w + NBUF + i]], bufs[i],
                             gsem[i])

    for w in range(WMAIN, WPS):
        _slot(w, w % NBUF, w + NBUF < WPS)
    plsc.subcore_barrier()
    pltpu.sync_copy(acc.at[pl.ds(r0, RPS)],
                    out_hbm.at[pl.ds(c * N_PAD + r0, RPS)])



def _t0_body(x_ref, w1_ref, ei_ref, hp_ref, srct_ref, dstt_ref):
    h = jnp.dot(x_ref[...], w1_ref[...], preferred_element_type=jnp.float32)
    lo = h[0:NH, :]
    hi = jnp.concatenate(
        [h[NH:N, :], jnp.zeros((N_PAD - N, HID), jnp.float32)], axis=0)
    hp_ref[...] = jnp.concatenate([lo, hi], axis=1)
    s = ei_ref[0]
    srct_ref[...] = 2 * s - (2 * NH - 1) * (s >= NH).astype(jnp.int32)
    d = ei_ref[1]
    dstt_ref[...] = 2 * d - (2 * NH - 1) * (d >= NH).astype(jnp.int32)


def _t1_body(hp_ref, degp_ref, hsp_ref, dinvp_ref):
    dinv_p = lax.rsqrt(degp_ref[0:NH, :] + degp_ref[NH:2 * NH, :] + 1.0)
    dinvp_ref[...] = dinv_p
    hsp_ref[...] = hp_ref[...] * dinv_p


def _t2_body(aggp_ref, hsp_ref, dinvp_ref, b1p_ref, h2sp_ref):
    dinv_p = dinvp_ref[...]
    out1 = dinv_p * (aggp_ref[0:NH, :] + aggp_ref[NH:2 * NH, :]
                     + hsp_ref[...]) + b1p_ref[...]
    r = jnp.maximum(out1, 0.0)
    s = r * r
    i0 = 1.0 / jnp.maximum(
        jnp.sqrt(jnp.sum(s[:, 0:HID], axis=1, keepdims=True)), 1e-12)
    i1 = 1.0 / jnp.maximum(
        jnp.sqrt(jnp.sum(s[:, HID:128], axis=1, keepdims=True)), 1e-12)
    scale = jnp.concatenate([jnp.broadcast_to(i0, (NH, HID)),
                             jnp.broadcast_to(i1, (NH, HID))], axis=1)
    h2sp_ref[...] = r * scale * dinv_p


def _t3_body(aggp_ref, h2sp_ref, dinvp_ref, w2_ref, b2_ref, out_ref):
    a0 = aggp_ref[0:NH, :]
    a1 = aggp_ref[NH:2 * NH, :]
    pre = dinvp_ref[...] * (a0 + a1 + h2sp_ref[...])
    o_lo = jnp.dot(pre[:, 0:HID], w2_ref[...],
                   preferred_element_type=jnp.float32)
    o_hi = jnp.dot(pre[:, HID:128], w2_ref[...],
                   preferred_element_type=jnp.float32)
    out_ref[...] = (
        jnp.concatenate([o_lo, o_hi[0:N - NH, :]], axis=0) + b2_ref[...])


_f32 = jnp.float32


def kernel(x, edge_index, W1, b1, W2, b2):
    ei_r = edge_index.reshape(2, NER, 128)
    ei_sc = ei_r.reshape(2, NWORK, WPS, WIN)
    zeros_deg = jnp.zeros((N_PAD, DEGW), _f32)
    zeros_hid = jnp.zeros((N_PAD, HID), _f32)
    vfull = jnp.ones((WIN, DEGW), _f32)
    b1p = jnp.concatenate([b1, b1]).reshape(1, 128)

    degp2 = _deg_kernel(ei_sc, vfull, zeros_deg)
    hp, srct, dstt = pl.pallas_call(
        _t0_body,
        out_shape=(jax.ShapeDtypeStruct((NH, 128), _f32),
                   jax.ShapeDtypeStruct((NER, 128), jnp.int32),
                   jax.ShapeDtypeStruct((NER, 128), jnp.int32)),
    )(x, W1, ei_r)
    srcw = srct.reshape(NWORK, WPS, WIN)
    dstw = dstt.reshape(NWORK, WPS, WIN)

    hsp, dinvp = pl.pallas_call(
        _t1_body,
        out_shape=(jax.ShapeDtypeStruct((NH, 128), _f32),
                   jax.ShapeDtypeStruct((NH, 128), _f32)),
    )(hp, degp2)

    agg1p = _msg_kernel(hsp.reshape(N_PAD, HID), srcw, dstw,
                        zeros_hid).reshape(AP, 128)

    h2sp = pl.pallas_call(
        _t2_body,
        out_shape=jax.ShapeDtypeStruct((NH, 128), _f32),
    )(agg1p, hsp, dinvp, b1p)

    agg2p = _msg_kernel(h2sp.reshape(N_PAD, HID), srcw, dstw,
                        zeros_hid).reshape(AP, 128)

    out = pl.pallas_call(
        _t3_body,
        out_shape=jax.ShapeDtypeStruct((N, D_OUT), _f32),
    )(agg2p, h2sp, dinvp, W2, b2.reshape(1, D_OUT))

    return out

# --- scband reference (transcript-rebuilt; emitter-appended) ---
"""Pipeline reference for scband-inductive-gcn-19061064860300 (READ-ONLY COPY).

The authoritative reference and input builder live on the scoring server;
editing this copy changes nothing except your own understanding.
"""

import jax, jax.numpy as jnp
import numpy as np

N = 10000
E = 320000
D_IN = 128
HID = 64
D_OUT = 128


def setup_inputs(seed: int = 0) -> dict:
    key = jax.random.key(seed)
    k1, k2, k3, k4, k5, k6 = jax.random.split(key, 6)
    x = jax.random.normal(k1, (N, D_IN), dtype=jnp.float32)
    # int32 indices (functionally identical to int64 for gather/scatter in jax)
    edge_index = jax.random.randint(k2, (2, E), 0, N, dtype=jnp.int32)
    # GCNConv learned params (glorot-style init)
    W1 = jax.random.normal(k3, (D_IN, HID), dtype=jnp.float32) * (1.0 / np.sqrt(D_IN))
    b1 = jnp.zeros((HID,), dtype=jnp.float32)
    W2 = jax.random.normal(k4, (HID, D_OUT), dtype=jnp.float32) * (1.0 / np.sqrt(HID))
    b2 = jnp.zeros((D_OUT,), dtype=jnp.float32)
    return {"x": x, "edge_index": edge_index, "W1": W1, "b1": b1, "W2": W2, "b2": b2}


def _gcn_conv(x, src, dst, W, b):
    # x' = D^{-1/2} (A + I) D^{-1/2} (x W) + b   (PyG GCNConv semantics, add_self_loops=True)
    h = x @ W
    deg = jax.ops.segment_sum(jnp.ones(dst.shape, h.dtype), dst, num_segments=N)
    dinv = jnp.where(deg > 0, jax.lax.rsqrt(deg), 0.0)
    norm = dinv[src] * dinv[dst]
    msg = h[src] * norm[:, None]
    out = jax.ops.segment_sum(msg, dst, num_segments=N)
    return out + b


def reference(x, edge_index, W1, b1, W2, b2):
    # Neighbor sampling thresholds are [100, 50]; with avg degree 32 over 10000
    # nodes, essentially all nodes have degree below the thresholds, so
    # sample_neighbors is the identity on the edge set (kept faithful to the
    # deterministic / no-subsampling branch of the original code).
    loops = jnp.arange(N, dtype=edge_index.dtype)
    src = jnp.concatenate([edge_index[0], loops])
    dst = jnp.concatenate([edge_index[1], loops])
    h = _gcn_conv(x, src, dst, W1, b1)
    h = jax.nn.relu(h)
    # F.normalize(p=2, dim=-1)
    h = h / jnp.maximum(jnp.linalg.norm(h, axis=-1, keepdims=True), 1e-12)
    out = _gcn_conv(h, src, dst, W2, b2)
    return out

if __name__ == "__main__":
    import jax
    _d = setup_inputs()
    print(jax.jit(kernel)(*tuple(_d.values())))

</pallas_src>

<mosaic_0001>
#map = affine_map<(d0, d1) -> (0, 0, 0, 0)>
#map1 = affine_map<(d0, d1) -> (0, 0)>
module attributes {stable_mosaic.version = 14 : i64} {
  func.func @_deg_kernel(%arg0: i32, %arg1: i32, %arg2: memref<2x32x80x125xi32, #tpu.memory_space<hbm>>, %arg3: memref<125x16xf32, #tpu.memory_space<hbm>>, %arg4: memref<10240x16xf32, #tpu.memory_space<hbm>>, %arg5: memref<10240x128xf32, #tpu.memory_space<hbm>>, %arg6: memref<80x125xi32, #tpu.memory_space<vmem>>, %arg7: memref<125x16xf32, #tpu.memory_space<vmem>>, %arg8: memref<10240x16xf32, #tpu.memory_space<vmem_shared>>, %arg9: memref<320x16xf32, #tpu.memory_space<vmem>>, %arg10: memref<320x16xf32, #tpu.memory_space<vmem>>, %arg11: memref<320x128xf32, #tpu.memory_space<vmem>>) attributes {dimension_semantics = [#tpu.dimension_semantics<core_parallel>, #tpu.dimension_semantics<subcore_parallel>], iteration_bounds = array<i64: 2, 16>, scalar_prefetch = 0 : i64, scratch_operands = 6 : i64, tpu.core_type = #tpu.core_type<sc_vector_subcore>, window_params = [{transform_indices = #map}, {transform_indices = #map1}, {transform_indices = #map1}, {transform_indices = #map1}]} {
    %mul3A = arith.constant 16 : i32
    %mul3A_0 = arith.muli %arg0, %mul3A : i32
    %add3A = arith.addi %mul3A_0, %arg1 : i32
    %mul3A_1 = arith.constant 640 : i32
    %mul3A_2 = arith.muli %arg1, %mul3A_1 : i32
    "tpu.region"() ({
      %run_scoped3A_24 = tpu.sem_alloc : memref<!tpu.dma_semaphore, #tpu.memory_space<semaphore_mem>>
      %dma_start3A = arith.constant 0 : i32
      %dma_start3A_25 = tpu.memref_slice %arg8[%mul3A_2, %dma_start3A] : memref<10240x16xf32, #tpu.memory_space<vmem_shared>> -> memref<640x16xf32, #tpu.memory_space<vmem_shared>>
      %dma_start3A_26 = arith.constant 0 : i32
      %dma_start3A_27 = tpu.memref_slice %arg4[%mul3A_2, %dma_start3A_26] : memref<10240x16xf32, #tpu.memory_space<hbm>> -> memref<640x16xf32, #tpu.memory_space<hbm>>
      tpu.enqueue_dma source(%dma_start3A_27 : memref<640x16xf32, #tpu.memory_space<hbm>>) target(%dma_start3A_25 : memref<640x16xf32, #tpu.memory_space<vmem_shared>>) target_semaphore(%run_scoped3A_24 : memref<!tpu.dma_semaphore, #tpu.memory_space<semaphore_mem>>)
      %dma_wait3A = arith.constant 0 : i32
      %dma_wait3A_28 = tpu.memref_slice %arg8[%mul3A_2, %dma_wait3A] : memref<10240x16xf32, #tpu.memory_space<vmem_shared>> -> memref<640x16xf32, #tpu.memory_space<vmem_shared>>
      %dma_wait3A_29 = arith.constant 0 : i32
      %dma_wait3A_30 = tpu.memref_slice %arg4[%mul3A_2, %dma_wait3A_29] : memref<10240x16xf32, #tpu.memory_space<hbm>> -> memref<640x16xf32, #tpu.memory_space<hbm>>
      tpu.wait_dma2 semaphore(%run_scoped3A_24 : memref<!tpu.dma_semaphore, #tpu.memory_space<semaphore_mem>>) src(%dma_wait3A_30 : memref<640x16xf32, #tpu.memory_space<hbm>>) dst(%dma_wait3A_28 : memref<640x16xf32, #tpu.memory_space<vmem_shared>>)
      tpu.yield
    }) : () -> ()
    %run_scoped3A = arith.constant 1 : i32
    "tpu.region"() ({
      %run_scoped3A_24 = tpu.sem_alloc : memref<!tpu.dma_semaphore, #tpu.memory_space<semaphore_mem>>
      %dma_start3A = arith.constant 0 : i32
      %dma_start3A_25 = arith.constant 0 : i32
      %dma_start3A_26 = tpu.memref_slice %arg2[%run_scoped3A, %add3A, %dma_start3A, %dma_start3A_25] : memref<2x32x80x125xi32, #tpu.memory_space<hbm>> -> memref<1x1x80x125xi32, #tpu.memory_space<hbm>>
      %dma_start3A_27 = tpu.memref_squeeze %dma_start3A_26 : memref<1x1x80x125xi32, #tpu.memory_space<hbm>> -> memref<80x125xi32, #tpu.memory_space<hbm>>
      %dma_start3A_28 = arith.constant 0 : i32
      %dma_start3A_29 = arith.constant 0 : i32
      %dma_start3A_30 = tpu.memref_slice %arg2[%run_scoped3A, %add3A, %dma_start3A_28, %dma_start3A_29] : memref<2x32x80x125xi32, #tpu.memory_space<hbm>> -> memref<1x1x80x125xi32, #tpu.memory_space<hbm>>
      %dma_start3A_31 = tpu.memref_squeeze %dma_start3A_30 : memref<1x1x80x125xi32, #tpu.memory_space<hbm>> -> memref<80x125xi32, #tpu.memory_space<hbm>>
      tpu.enqueue_dma source(%dma_start3A_31 : memref<80x125xi32, #tpu.memory_space<hbm>>) target(%arg6 : memref<80x125xi32, #tpu.memory_space<vmem>>) target_semaphore(%run_scoped3A_24 : memref<!tpu.dma_semaphore, #tpu.memory_space<semaphore_mem>>)
      %dma_wait3A = arith.constant 0 : i32
      %dma_wait3A_32 = arith.constant 0 : i32
      %dma_wait3A_33 = tpu.memref_slice %arg2[%run_scoped3A, %add3A, %dma_wait3A, %dma_wait3A_32] : memref<2x32x80x125xi32, #tpu.memory_space<hbm>> -> memref<1x1x80x125xi32, #tpu.memory_space<hbm>>
      %dma_wait3A_34 = tpu.memref_squeeze %dma_wait3A_33 : memref<1x1x80x125xi32, #tpu.memory_space<hbm>> -> memref<80x125xi32, #tpu.memory_space<hbm>>
      %dma_wait3A_35 = arith.constant 0 : i32
      %dma_wait3A_36 = arith.constant 0 : i32
      %dma_wait3A_37 = tpu.memref_slice %arg2[%run_scoped3A, %add3A, %dma_wait3A_35, %dma_wait3A_36] : memref<2x32x80x125xi32, #tpu.memory_space<hbm>> -> memref<1x1x80x125xi32, #tpu.memory_space<hbm>>
      %dma_wait3A_38 = tpu.memref_squeeze %dma_wait3A_37 : memref<1x1x80x125xi32, #tpu.memory_space<hbm>> -> memref<80x125xi32, #tpu.memory_space<hbm>>
      tpu.wait_dma2 semaphore(%run_scoped3A_24 : memref<!tpu.dma_semaphore, #tpu.memory_space<semaphore_mem>>) src(%dma_wait3A_38 : memref<80x125xi32, #tpu.memory_space<hbm>>) dst(%arg6 : memref<80x125xi32, #tpu.memory_space<vmem>>)
      tpu.yield
    }) : () -> ()
    "tpu.region"() ({
      %run_scoped3A_24 = tpu.sem_alloc : memref<!tpu.dma_semaphore, #tpu.memory_space<semaphore_mem>>
      tpu.enqueue_dma source(%arg3 : memref<125x16xf32, #tpu.memory_space<hbm>>) target(%arg7 : memref<125x16xf32, #tpu.memory_space<vmem>>) target_semaphore(%run_scoped3A_24 : memref<!tpu.dma_semaphore, #tpu.memory_space<semaphore_mem>>)
      tpu.wait_dma2 semaphore(%run_scoped3A_24 : memref<!tpu.dma_semaphore, #tpu.memory_space<semaphore_mem>>) src(%arg3 : memref<125x16xf32, #tpu.memory_space<hbm>>) dst(%arg7 : memref<125x16xf32, #tpu.memory_space<vmem>>)
      tpu.yield
    }) : () -> ()
    %barrier3A = arith.constant 0 : index
    tpu.barrier barrier_id(%barrier3A)
    %scan3A = arith.constant 0 : i32
    %scan3A_3 = arith.constant 80 : i32
    %scan3A_4 = arith.addi %scan3A, %scan3A_3 : i32
    %scan3A_5 = arith.constant 1 : i32
    scf.for %scan3A_24 = %scan3A to %scan3A_4 step %scan3A_5  : i32 {
      %mul3A_25 = arith.constant 1 : i32
      %mul3A_26 = arith.muli %scan3A_24, %mul3A_25 : i32
      %add3A_27 = arith.constant 0 : i32
      %add3A_28 = arith.addi %add3A_27, %mul3A_26 : i32
      "tpu.region"() ({
        %run_scoped3A_29 = tpu.sem_alloc : memref<!tpu.dma_semaphore, #tpu.memory_space<semaphore_mem>>
        %dma_start3A = arith.constant 0 : i32
        %dma_start3A_30 = tpu.memref_slice %arg6[%add3A_28, %dma_start3A] : memref<80x125xi32, #tpu.memory_space<vmem>> -> memref<1x125xi32, #tpu.memory_space<vmem>>
        %dma_start3A_31 = tpu.memref_squeeze %dma_start3A_30 : memref<1x125xi32, #tpu.memory_space<vmem>> -> memref<125xi32, #tpu.memory_space<vmem>>
        %dma_start3A_32 = arith.constant 0 : i32
        %dma_start3A_33 = arith.constant 0 : i32
        %dma_start3A_34 = tpu.memref_slice %arg8[%dma_start3A_32, %dma_start3A_33] : memref<10240x16xf32, #tpu.memory_space<vmem_shared>> -> memref<10240x16xf32, #tpu.memory_space<vmem_shared>>
        tpu.enqueue_indirect_dma source(%arg7 : memref<125x16xf32, #tpu.memory_space<vmem>>) target(%dma_start3A_34 : memref<10240x16xf32, #tpu.memory_space<vmem_shared>>) offsets(%dma_start3A_31 : memref<125xi32, #tpu.memory_space<vmem>>) semaphore(%run_scoped3A_29 : memref<!tpu.dma_semaphore, #tpu.memory_space<semaphore_mem>>) {add = true}
        %dma_wait3A = arith.constant 0 : i32
        %dma_wait3A_35 = tpu.memref_slice %arg6[%add3A_28, %dma_wait3A] : memref<80x125xi32, #tpu.memory_space<vmem>> -> memref<1x125xi32, #tpu.memory_space<vmem>>
        %dma_wait3A_36 = tpu.memref_squeeze %dma_wait3A_35 : memref<1x125xi32, #tpu.memory_space<vmem>> -> memref<125xi32, #tpu.memory_space<vmem>>
        %dma_wait3A_37 = arith.constant 0 : i32
        %dma_wait3A_38 = arith.constant 0 : i32
        %dma_wait3A_39 = tpu.memref_slice %arg8[%dma_wait3A_37, %dma_wait3A_38] : memref<10240x16xf32, #tpu.memory_space<vmem_shared>> -> memref<10240x16xf32, #tpu.memory_space<vmem_shared>>
        tpu.wait_indirect_dma semaphore(%run_scoped3A_29 : memref<!tpu.dma_semaphore, #tpu.memory_space<semaphore_mem>>) src(%arg7 : memref<125x16xf32, #tpu.memory_space<vmem>>) dst(%dma_wait3A_39 : memref<10240x16xf32, #tpu.memory_space<vmem_shared>>)
        tpu.yield
      }) : () -> ()
    }
    %scan3A_6 = arith.constant 80 : i32
    %barrier3A_7 = arith.constant 0 : index
    tpu.barrier barrier_id(%barrier3A_7)
    %mul3A_8 = arith.constant 320 : i32
    %mul3A_9 = arith.muli %arg1, %mul3A_8 : i32
    "tpu.region"() ({
      %run_scoped3A_24 = tpu.sem_alloc : memref<!tpu.dma_semaphore, #tpu.memory_space<semaphore_mem>>
      %dma_start3A = arith.constant 0 : i32
      %dma_start3A_25 = tpu.memref_slice %arg8[%mul3A_9, %dma_start3A] : memref<10240x16xf32, #tpu.memory_space<vmem_shared>> -> memref<320x16xf32, #tpu.memory_space<vmem_shared>>
      %dma_start3A_26 = arith.constant 0 : i32
      %dma_start3A_27 = tpu.memref_slice %arg8[%mul3A_9, %dma_start3A_26] : memref<10240x16xf32, #tpu.memory_space<vmem_shared>> -> memref<320x16xf32, #tpu.memory_space<vmem_shared>>
      tpu.enqueue_dma source(%dma_start3A_27 : memref<320x16xf32, #tpu.memory_space<vmem_shared>>) target(%arg9 : memref<320x16xf32, #tpu.memory_space<vmem>>) target_semaphore(%run_scoped3A_24 : memref<!tpu.dma_semaphore, #tpu.memory_space<semaphore_mem>>)
      %dma_wait3A = arith.constant 0 : i32
      %dma_wait3A_28 = tpu.memref_slice %arg8[%mul3A_9, %dma_wait3A] : memref<10240x16xf32, #tpu.memory_space<vmem_shared>> -> memref<320x16xf32, #tpu.memory_space<vmem_shared>>
      %dma_wait3A_29 = arith.constant 0 : i32
      %dma_wait3A_30 = tpu.memref_slice %arg8[%mul3A_9, %dma_wait3A_29] : memref<10240x16xf32, #tpu.memory_space<vmem_shared>> -> memref<320x16xf32, #tpu.memory_space<vmem_shared>>
      tpu.wait_dma2 semaphore(%run_scoped3A_24 : memref<!tpu.dma_semaphore, #tpu.memory_space<semaphore_mem>>) src(%dma_wait3A_30 : memref<320x16xf32, #tpu.memory_space<vmem_shared>>) dst(%arg9 : memref<320x16xf32, #tpu.memory_space<vmem>>)
      tpu.yield
    }) : () -> ()
    %mul3A_10 = arith.constant 320 : i32
    %mul3A_11 = arith.muli %arg1, %mul3A_10 : i32
    %add3A_12 = arith.constant 5120 : i32
    %add3A_13 = arith.addi %add3A_12, %mul3A_11 : i32
    "tpu.region"() ({
      %run_scoped3A_24 = tpu.sem_alloc : memref<!tpu.dma_semaphore, #tpu.memory_space<semaphore_mem>>
      %dma_start3A = arith.constant 0 : i32
      %dma_start3A_25 = tpu.memref_slice %arg8[%add3A_13, %dma_start3A] : memref<10240x16xf32, #tpu.memory_space<vmem_shared>> -> memref<320x16xf32, #tpu.memory_space<vmem_shared>>
      %dma_start3A_26 = arith.constant 0 : i32
      %dma_start3A_27 = tpu.memref_slice %arg8[%add3A_13, %dma_start3A_26] : memref<10240x16xf32, #tpu.memory_space<vmem_shared>> -> memref<320x16xf32, #tpu.memory_space<vmem_shared>>
      tpu.enqueue_dma source(%dma_start3A_27 : memref<320x16xf32, #tpu.memory_space<vmem_shared>>) target(%arg10 : memref<320x16xf32, #tpu.memory_space<vmem>>) target_semaphore(%run_scoped3A_24 : memref<!tpu.dma_semaphore, #tpu.memory_space<semaphore_mem>>)
      %dma_wait3A = arith.constant 0 : i32
      %dma_wait3A_28 = tpu.memref_slice %arg8[%add3A_13, %dma_wait3A] : memref<10240x16xf32, #tpu.memory_space<vmem_shared>> -> memref<320x16xf32, #tpu.memory_space<vmem_shared>>
      %dma_wait3A_29 = arith.constant 0 : i32
      %dma_wait3A_30 = tpu.memref_slice %arg8[%add3A_13, %dma_wait3A_29] : memref<10240x16xf32, #tpu.memory_space<vmem_shared>> -> memref<320x16xf32, #tpu.memory_space<vmem_shared>>
      tpu.wait_dma2 semaphore(%run_scoped3A_24 : memref<!tpu.dma_semaphore, #tpu.memory_space<semaphore_mem>>) src(%dma_wait3A_30 : memref<320x16xf32, #tpu.memory_space<vmem_shared>>) dst(%arg10 : memref<320x16xf32, #tpu.memory_space<vmem>>)
      tpu.yield
    }) : () -> ()
    %scan3A_14 = arith.constant 0 : i32
    %scan3A_15 = arith.constant 320 : i32
    %scan3A_16 = arith.addi %scan3A_14, %scan3A_15 : i32
    %scan3A_17 = arith.constant 1 : i32
    scf.for %scan3A_24 = %scan3A_14 to %scan3A_16 step %scan3A_17  : i32 {
      %mul3A_25 = arith.constant 1 : i32
      %mul3A_26 = arith.muli %scan3A_24, %mul3A_25 : i32
      %add3A_27 = arith.constant 0 : i32
      %add3A_28 = arith.addi %add3A_27, %mul3A_26 : i32
      %get3A = arith.index_cast %add3A_28 : i32 to index
      %get3A_29 = arith.constant 0 : index
      %get3A_30 = tpu.vector_load %arg9[%get3A, %get3A_29] {strides = array<i32>} : memref<320x16xf32, #tpu.memory_space<vmem>>, vector<1x16xf32>,
      %get3A_31 = vector.shape_cast %get3A_30 : vector<1x16xf32> to vector<16xf32>
      %get3A_32 = arith.index_cast %add3A_28 : i32 to index
      %get3A_33 = arith.constant 0 : index
      %get3A_34 = tpu.vector_load %arg10[%get3A_32, %get3A_33] {strides = array<i32>} : memref<320x16xf32, #tpu.memory_space<vmem>>, vector<1x16xf32>,
      %get3A_35 = vector.shape_cast %get3A_34 : vector<1x16xf32> to vector<16xf32>
      %swap3A = arith.index_cast %add3A_28 : i32 to index
      %swap3A_36 = arith.constant 0 : index
      %swap3A_37 = tpu.vector_load %arg11[%swap3A, %swap3A_36] {strides = array<i32>} : memref<320x128xf32, #tpu.memory_space<vmem>>, vector<1x16xf32>,
      %swap3A_38 = vector.shape_cast %swap3A_37 : vector<1x16xf32> to vector<16xf32>
      %swap3A_39 = vector.shape_cast %get3A_31 : vector<16xf32> to vector<1x16xf32>
      tpu.vector_store %arg11[%swap3A, %swap3A_36], %swap3A_39 {strides = array<i32>} : memref<320x128xf32, #tpu.memory_space<vmem>>, vector<1x16xf32>,
      %swap3A_40 = arith.index_cast %add3A_28 : i32 to index
      %swap3A_41 = arith.constant 64 : index
      %swap3A_42 = tpu.vector_load %arg11[%swap3A_40, %swap3A_41] {strides = array<i32>} : memref<320x128xf32, #tpu.memory_space<vmem>>, vector<1x16xf32>,
      %swap3A_43 = vector.shape_cast %swap3A_42 : vector<1x16xf32> to vector<16xf32>
      %swap3A_44 = vector.shape_cast %get3A_35 : vector<16xf32> to vector<1x16xf32>
      tpu.vector_store %arg11[%swap3A_40, %swap3A_41], %swap3A_44 {strides = array<i32>} : memref<320x128xf32, #tpu.memory_space<vmem>>, vector<1x16xf32>,
      %swap3A_45 = arith.index_cast %add3A_28 : i32 to index
      %swap3A_46 = arith.constant 16 : index
      %swap3A_47 = tpu.vector_load %arg11[%swap3A_45, %swap3A_46] {strides = array<i32>} : memref<320x128xf32, #tpu.memory_space<vmem>>, vector<1x16xf32>,
      %swap3A_48 = vector.shape_cast %swap3A_47 : vector<1x16xf32> to vector<16xf32>
      %swap3A_49 = vector.shape_cast %get3A_31 : vector<16xf32> to vector<1x16xf32>
      tpu.vector_store %arg11[%swap3A_45, %swap3A_46], %swap3A_49 {strides = array<i32>} : memref<320x128xf32, #tpu.memory_space<vmem>>, vector<1x16xf32>,
      %swap3A_50 = arith.index_cast %add3A_28 : i32 to index
      %swap3A_51 = arith.constant 80 : index
      %swap3A_52 = tpu.vector_load %arg11[%swap3A_50, %swap3A_51] {strides = array<i32>} : memref<320x128xf32, #tpu.memory_space<vmem>>, vector<1x16xf32>,
      %swap3A_53 = vector.shape_cast %swap3A_52 : vector<1x16xf32> to vector<16xf32>
      %swap3A_54 = vector.shape_cast %get3A_35 : vector<16xf32> to vector<1x16xf32>
      tpu.vector_store %arg11[%swap3A_50, %swap3A_51], %swap3A_54 {strides = array<i32>} : memref<320x128xf32, #tpu.memory_space<vmem>>, vector<1x16xf32>,
      %swap3A_55 = arith.index_cast %add3A_28 : i32 to index
      %swap3A_56 = arith.constant 32 : index
      %swap3A_57 = tpu.vector_load %arg11[%swap3A_55, %swap3A_56] {strides = array<i32>} : memref<320x128xf32, #tpu.memory_space<vmem>>, vector<1x16xf32>,
      %swap3A_58 = vector.shape_cast %swap3A_57 : vector<1x16xf32> to vector<16xf32>
      %swap3A_59 = vector.shape_cast %get3A_31 : vector<16xf32> to vector<1x16xf32>
      tpu.vector_store %arg11[%swap3A_55, %swap3A_56], %swap3A_59 {strides = array<i32>} : memref<320x128xf32, #tpu.memory_space<vmem>>, vector<1x16xf32>,
      %swap3A_60 = arith.index_cast %add3A_28 : i32 to index
      %swap3A_61 = arith.constant 96 : index
      %swap3A_62 = tpu.vector_load %arg11[%swap3A_60, %swap3A_61] {strides = array<i32>} : memref<320x128xf32, #tpu.memory_space<vmem>>, vector<1x16xf32>,
      %swap3A_63 = vector.shape_cast %swap3A_62 : vector<1x16xf32> to vector<16xf32>
      %swap3A_64 = vector.shape_cast %get3A_35 : vector<16xf32> to vector<1x16xf32>
      tpu.vector_store %arg11[%swap3A_60, %swap3A_61], %swap3A_64 {strides = array<i32>} : memref<320x128xf32, #tpu.memory_space<vmem>>, vector<1x16xf32>,
      %swap3A_65 = arith.index_cast %add3A_28 : i32 to index
      %swap3A_66 = arith.constant 48 : index
      %swap3A_67 = tpu.vector_load %arg11[%swap3A_65, %swap3A_66] {strides = array<i32>} : memref<320x128xf32, #tpu.memory_space<vmem>>, vector<1x16xf32>,
      %swap3A_68 = vector.shape_cast %swap3A_67 : vector<1x16xf32> to vector<16xf32>
      %swap3A_69 = vector.shape_cast %get3A_31 : vector<16xf32> to vector<1x16xf32>
      tpu.vector_store %arg11[%swap3A_65, %swap3A_66], %swap3A_69 {strides = array<i32>} : memref<320x128xf32, #tpu.memory_space<vmem>>, vector<1x16xf32>,
      %swap3A_70 = arith.index_cast %add3A_28 : i32 to index
      %swap3A_71 = arith.constant 112 : index
      %swap3A_72 = tpu.vector_load %arg11[%swap3A_70, %swap3A_71] {strides = array<i32>} : memref<320x128xf32, #tpu.memory_space<vmem>>, vector<1x16xf32>,
      %swap3A_73 = vector.shape_cast %swap3A_72 : vector<1x16xf32> to vector<16xf32>
      %swap3A_74 = vector.shape_cast %get3A_35 : vector<16xf32> to vector<1x16xf32>
      tpu.vector_store %arg11[%swap3A_70, %swap3A_71], %swap3A_74 {strides = array<i32>} : memref<320x128xf32, #tpu.memory_space<vmem>>, vector<1x16xf32>,
    }
    %scan3A_18 = arith.constant 320 : i32
    %mul3A_19 = arith.constant 5120 : i32
    %mul3A_20 = arith.muli %arg0, %mul3A_19 : i32
    %mul3A_21 = arith.constant 320 : i32
    %mul3A_22 = arith.muli %arg1, %mul3A_21 : i32
    %add3A_23 = arith.addi %mul3A_20, %mul3A_22 : i32
    "tpu.region"() ({
      %run_scoped3A_24 = tpu.sem_alloc : memref<!tpu.dma_semaphore, #tpu.memory_space<semaphore_mem>>
      %dma_start3A = arith.constant 0 : i32
      %dma_start3A_25 = tpu.memref_slice %arg5[%add3A_23, %dma_start3A] : memref<10240x128xf32, #tpu.memory_space<hbm>> -> memref<320x128xf32, #tpu.memory_space<hbm>>
      %dma_start3A_26 = arith.constant 0 : i32
      %dma_start3A_27 = tpu.memref_slice %arg5[%add3A_23, %dma_start3A_26] : memref<10240x128xf32, #tpu.memory_space<hbm>> -> memref<320x128xf32, #tpu.memory_space<hbm>>
      tpu.enqueue_dma source(%arg11 : memref<320x128xf32, #tpu.memory_space<vmem>>) target(%dma_start3A_27 : memref<320x128xf32, #tpu.memory_space<hbm>>) target_semaphore(%run_scoped3A_24 : memref<!tpu.dma_semaphore, #tpu.memory_space<semaphore_mem>>)
      %dma_wait3A = arith.constant 0 : i32
      %dma_wait3A_28 = tpu.memref_slice %arg5[%add3A_23, %dma_wait3A] : memref<10240x128xf32, #tpu.memory_space<hbm>> -> memref<320x128xf32, #tpu.memory_space<hbm>>
      %dma_wait3A_29 = arith.constant 0 : i32
      %dma_wait3A_30 = tpu.memref_slice %arg5[%add3A_23, %dma_wait3A_29] : memref<10240x128xf32, #tpu.memory_space<hbm>> -> memref<320x128xf32, #tpu.memory_space<hbm>>
      tpu.wait_dma2 semaphore(%run_scoped3A_24 : memref<!tpu.dma_semaphore, #tpu.memory_space<semaphore_mem>>) src(%arg11 : memref<320x128xf32, #tpu.memory_space<vmem>>) dst(%dma_wait3A_30 : memref<320x128xf32, #tpu.memory_space<hbm>>)
      tpu.yield
    }) : () -> ()
    return
  }
}

#map = affine_map<(d0, d1) -> (0, 0)>
#map1 = affine_map<(d0, d1) -> (0, 0, 0)>
module attributes {stable_mosaic.version = 14 : i64} {
  func.func @_msg_kernel(%arg0: i32, %arg1: i32, %arg2: memref<10240x64xf32, #tpu.memory_space<hbm>>, %arg3: memref<32x80x125xi32, #tpu.memory_space<hbm>>, %arg4: memref<32x80x125xi32, #tpu.memory_space<hbm>>, %arg5: memref<10240x64xf32, #tpu.memory_space<hbm>>, %arg6: memref<20480x64xf32, #tpu.memory_space<hbm>>, %arg7: memref<80x125xi32, #tpu.memory_space<vmem>>, %arg8: memref<80x125xi32, #tpu.memory_space<vmem>>, %arg9: memref<125x64xf32, #tpu.memory_space<vmem>>, %arg10: memref<125x64xf32, #tpu.memory_space<vmem>>, %arg11: memref<125x64xf32, #tpu.memory_space<vmem>>, %arg12: memref<125x64xf32, #tpu.memory_space<vmem>>, %arg13: memref<10240x64xf32, #tpu.memory_space<vmem_shared>>, %arg14: memref<!tpu.dma_semaphore, #tpu.memory_space<semaphore_mem>>, %arg15: memref<!tpu.dma_semaphore, #tpu.memory_space<semaphore_mem>>, %arg16: memref<!tpu.dma_semaphore, #tpu.memory_space<semaphore_mem>>, %arg17: memref<!tpu.dma_semaphore, #tpu.memory_space<semaphore_mem>>) attributes {dimension_semantics = [#tpu.dimension_semantics<core_parallel>, #tpu.dimension_semantics<subcore_parallel>], iteration_bounds = array<i64: 2, 16>, scalar_prefetch = 0 : i64, scratch_operands = 11 : i64, tpu.core_type = #tpu.core_type<sc_vector_subcore>, window_params = [{transform_indices = #map}, {transform_indices = #map1}, {transform_indices = #map1}, {transform_indices = #map}, {transform_indices = #map}]} {
    %mul3A = arith.constant 16 : i32
    %mul3A_0 = arith.muli %arg0, %mul3A : i32
    %add3A = arith.addi %mul3A_0, %arg1 : i32
    %mul3A_1 = arith.constant 640 : i32
    %mul3A_2 = arith.muli %arg1, %mul3A_1 : i32
    "tpu.region"() ({
      %run_scoped3A_64 = tpu.sem_alloc : memref<!tpu.dma_semaphore, #tpu.memory_space<semaphore_mem>>
      %dma_start3A_65 = arith.constant 0 : i32
      %dma_start3A_66 = tpu.memref_slice %arg13[%mul3A_2, %dma_start3A_65] : memref<10240x64xf32, #tpu.memory_space<vmem_shared>> -> memref<640x64xf32, #tpu.memory_space<vmem_shared>>
      %dma_start3A_67 = arith.constant 0 : i32
      %dma_start3A_68 = tpu.memref_slice %arg5[%mul3A_2, %dma_start3A_67] : memref<10240x64xf32, #tpu.memory_space<hbm>> -> memref<640x64xf32, #tpu.memory_space<hbm>>
      tpu.enqueue_dma source(%dma_start3A_68 : memref<640x64xf32, #tpu.memory_space<hbm>>) target(%dma_start3A_66 : memref<640x64xf32, #tpu.memory_space<vmem_shared>>) target_semaphore(%run_scoped3A_64 : memref<!tpu.dma_semaphore, #tpu.memory_space<semaphore_mem>>)
      %dma_wait3A_69 = arith.constant 0 : i32
      %dma_wait3A_70 = tpu.memref_slice %arg13[%mul3A_2, %dma_wait3A_69] : memref<10240x64xf32, #tpu.memory_space<vmem_shared>> -> memref<640x64xf32, #tpu.memory_space<vmem_shared>>
      %dma_wait3A_71 = arith.constant 0 : i32
      %dma_wait3A_72 = tpu.memref_slice %arg5[%mul3A_2, %dma_wait3A_71] : memref<10240x64xf32, #tpu.memory_space<hbm>> -> memref<640x64xf32, #tpu.memory_space<hbm>>
      tpu.wait_dma2 semaphore(%run_scoped3A_64 : memref<!tpu.dma_semaphore, #tpu.memory_space<semaphore_mem>>) src(%dma_wait3A_72 : memref<640x64xf32, #tpu.memory_space<hbm>>) dst(%dma_wait3A_70 : memref<640x64xf32, #tpu.memory_space<vmem_shared>>)
      tpu.yield
    }) : () -> ()
    "tpu.region"() ({
      %run_scoped3A_64 = tpu.sem_alloc : memref<!tpu.dma_semaphore, #tpu.memory_space<semaphore_mem>>
      %dma_start3A_65 = arith.constant 0 : i32
      %dma_start3A_66 = arith.constant 0 : i32
      %dma_start3A_67 = tpu.memref_slice %arg3[%add3A, %dma_start3A_65, %dma_start3A_66] : memref<32x80x125xi32, #tpu.memory_space<hbm>> -> memref<1x80x125xi32, #tpu.memory_space<hbm>>
      %dma_start3A_68 = tpu.memref_squeeze %dma_start3A_67 : memref<1x80x125xi32, #tpu.memory_space<hbm>> -> memref<80x125xi32, #tpu.memory_space<hbm>>
      %dma_start3A_69 = arith.constant 0 : i32
      %dma_start3A_70 = arith.constant 0 : i32
      %dma_start3A_71 = tpu.memref_slice %arg3[%add3A, %dma_start3A_69, %dma_start3A_70] : memref<32x80x125xi32, #tpu.memory_space<hbm>> -> memref<1x80x125xi32, #tpu.memory_space<hbm>>
      %dma_start3A_72 = tpu.memref_squeeze %dma_start3A_71 : memref<1x80x125xi32, #tpu.memory_space<hbm>> -> memref<80x125xi32, #tpu.memory_space<hbm>>
      tpu.enqueue_dma source(%dma_start3A_72 : memref<80x125xi32, #tpu.memory_space<hbm>>) target(%arg7 : memref<80x125xi32, #tpu.memory_space<vmem>>) target_semaphore(%run_scoped3A_64 : memref<!tpu.dma_semaphore, #tpu.memory_space<semaphore_mem>>)
      %dma_wait3A_73 = arith.constant 0 : i32
      %dma_wait3A_74 = arith.constant 0 : i32
      %dma_wait3A_75 = tpu.memref_slice %arg3[%add3A, %dma_wait3A_73, %dma_wait3A_74] : memref<32x80x125xi32, #tpu.memory_space<hbm>> -> memref<1x80x125xi32, #tpu.memory_space<hbm>>
      %dma_wait3A_76 = tpu.memref_squeeze %dma_wait3A_75 : memref<1x80x125xi32, #tpu.memory_space<hbm>> -> memref<80x125xi32, #tpu.memory_space<hbm>>
      %dma_wait3A_77 = arith.constant 0 : i32
      %dma_wait3A_78 = arith.constant 0 : i32
      %dma_wait3A_79 = tpu.memref_slice %arg3[%add3A, %dma_wait3A_77, %dma_wait3A_78] : memref<32x80x125xi32, #tpu.memory_space<hbm>> -> memref<1x80x125xi32, #tpu.memory_space<hbm>>
      %dma_wait3A_80 = tpu.memref_squeeze %dma_wait3A_79 : memref<1x80x125xi32, #tpu.memory_space<hbm>> -> memref<80x125xi32, #tpu.memory_space<hbm>>
      tpu.wait_dma2 semaphore(%run_scoped3A_64 : memref<!tpu.dma_semaphore, #tpu.memory_space<semaphore_mem>>) src(%dma_wait3A_80 : memref<80x125xi32, #tpu.memory_space<hbm>>) dst(%arg7 : memref<80x125xi32, #tpu.memory_space<vmem>>)
      tpu.yield
    }) : () -> ()
    "tpu.region"() ({
      %run_scoped3A_64 = tpu.sem_alloc : memref<!tpu.dma_semaphore, #tpu.memory_space<semaphore_mem>>
      %dma_start3A_65 = arith.constant 0 : i32
      %dma_start3A_66 = arith.constant 0 : i32
      %dma_start3A_67 = tpu.memref_slice %arg4[%add3A, %dma_start3A_65, %dma_start3A_66] : memref<32x80x125xi32, #tpu.memory_space<hbm>> -> memref<1x80x125xi32, #tpu.memory_space<hbm>>
      %dma_start3A_68 = tpu.memref_squeeze %dma_start3A_67 : memref<1x80x125xi32, #tpu.memory_space<hbm>> -> memref<80x125xi32, #tpu.memory_space<hbm>>
      %dma_start3A_69 = arith.constant 0 : i32
      %dma_start3A_70 = arith.constant 0 : i32
      %dma_start3A_71 = tpu.memref_slice %arg4[%add3A, %dma_start3A_69, %dma_start3A_70] : memref<32x80x125xi32, #tpu.memory_space<hbm>> -> memref<1x80x125xi32, #tpu.memory_space<hbm>>
      %dma_start3A_72 = tpu.memref_squeeze %dma_start3A_71 : memref<1x80x125xi32, #tpu.memory_space<hbm>> -> memref<80x125xi32, #tpu.memory_space<hbm>>
      tpu.enqueue_dma source(%dma_start3A_72 : memref<80x125xi32, #tpu.memory_space<hbm>>) target(%arg8 : memref<80x125xi32, #tpu.memory_space<vmem>>) target_semaphore(%run_scoped3A_64 : memref<!tpu.dma_semaphore, #tpu.memory_space<semaphore_mem>>)
      %dma_wait3A_73 = arith.constant 0 : i32
      %dma_wait3A_74 = arith.constant 0 : i32
      %dma_wait3A_75 = tpu.memref_slice %arg4[%add3A, %dma_wait3A_73, %dma_wait3A_74] : memref<32x80x125xi32, #tpu.memory_space<hbm>> -> memref<1x80x125xi32, #tpu.memory_space<hbm>>
      %dma_wait3A_76 = tpu.memref_squeeze %dma_wait3A_75 : memref<1x80x125xi32, #tpu.memory_space<hbm>> -> memref<80x125xi32, #tpu.memory_space<hbm>>
      %dma_wait3A_77 = arith.constant 0 : i32
      %dma_wait3A_78 = arith.constant 0 : i32
      %dma_wait3A_79 = tpu.memref_slice %arg4[%add3A, %dma_wait3A_77, %dma_wait3A_78] : memref<32x80x125xi32, #tpu.memory_space<hbm>> -> memref<1x80x125xi32, #tpu.memory_space<hbm>>
      %dma_wait3A_80 = tpu.memref_squeeze %dma_wait3A_79 : memref<1x80x125xi32, #tpu.memory_space<hbm>> -> memref<80x125xi32, #tpu.memory_space<hbm>>
      tpu.wait_dma2 semaphore(%run_scoped3A_64 : memref<!tpu.dma_semaphore, #tpu.memory_space<semaphore_mem>>) src(%dma_wait3A_80 : memref<80x125xi32, #tpu.memory_space<hbm>>) dst(%arg8 : memref<80x125xi32, #tpu.memory_space<vmem>>)
      tpu.yield
    }) : () -> ()
    %barrier3A = arith.constant 0 : index
    tpu.barrier barrier_id(%barrier3A)
    %dma_start3A = arith.constant 0 : i32
    %dma_start3A_3 = arith.constant 0 : i32
    %dma_start3A_4 = tpu.memref_slice %arg7[%dma_start3A, %dma_start3A_3] : memref<80x125xi32, #tpu.memory_space<vmem>> -> memref<1x125xi32, #tpu.memory_space<vmem>>
    %dma_start3A_5 = tpu.memref_squeeze %dma_start3A_4 : memref<1x125xi32, #tpu.memory_space<vmem>> -> memref<125xi32, #tpu.memory_space<vmem>>
    %dma_start3A_6 = arith.constant 0 : i32
    %dma_start3A_7 = arith.constant 0 : i32
    %dma_start3A_8 = tpu.memref_slice %arg2[%dma_start3A_6, %dma_start3A_7] : memref<10240x64xf32, #tpu.memory_space<hbm>> -> memref<10240x64xf32, #tpu.memory_space<hbm>>
    tpu.enqueue_indirect_dma source(%dma_start3A_8 : memref<10240x64xf32, #tpu.memory_space<hbm>>) target(%arg9 : memref<125x64xf32, #tpu.memory_space<vmem>>) offsets(%dma_start3A_5 : memref<125xi32, #tpu.memory_space<vmem>>) semaphore(%arg14 : memref<!tpu.dma_semaphore, #tpu.memory_space<semaphore_mem>>)
    %dma_start3A_9 = arith.constant 1 : i32
    %dma_start3A_10 = arith.constant 0 : i32
    %dma_start3A_11 = tpu.memref_slice %arg7[%dma_start3A_9, %dma_start3A_10] : memref<80x125xi32, #tpu.memory_space<vmem>> -> memref<1x125xi32, #tpu.memory_space<vmem>>
    %dma_start3A_12 = tpu.memref_squeeze %dma_start3A_11 : memref<1x125xi32, #tpu.memory_space<vmem>> -> memref<125xi32, #tpu.memory_space<vmem>>
    %dma_start3A_13 = arith.constant 0 : i32
    %dma_start3A_14 = arith.constant 0 : i32
    %dma_start3A_15 = tpu.memref_slice %arg2[%dma_start3A_13, %dma_start3A_14] : memref<10240x64xf32, #tpu.memory_space<hbm>> -> memref<10240x64xf32, #tpu.memory_space<hbm>>
    tpu.enqueue_indirect_dma source(%dma_start3A_15 : memref<10240x64xf32, #tpu.memory_space<hbm>>) target(%arg10 : memref<125x64xf32, #tpu.memory_space<vmem>>) offsets(%dma_start3A_12 : memref<125xi32, #tpu.memory_space<vmem>>) semaphore(%arg15 : memref<!tpu.dma_semaphore, #tpu.memory_space<semaphore_mem>>)
    %dma_start3A_16 = arith.constant 2 : i32
    %dma_start3A_17 = arith.constant 0 : i32
    %dma_start3A_18 = tpu.memref_slice %arg7[%dma_start3A_16, %dma_start3A_17] : memref<80x125xi32, #tpu.memory_space<vmem>> -> memref<1x125xi32, #tpu.memory_space<vmem>>
    %dma_start3A_19 = tpu.memref_squeeze %dma_start3A_18 : memref<1x125xi32, #tpu.memory_space<vmem>> -> memref<125xi32, #tpu.memory_space<vmem>>
    %dma_start3A_20 = arith.constant 0 : i32
    %dma_start3A_21 = arith.constant 0 : i32
    %dma_start3A_22 = tpu.memref_slice %arg2[%dma_start3A_20, %dma_start3A_21] : memref<10240x64xf32, #tpu.memory_space<hbm>> -> memref<10240x64xf32, #tpu.memory_space<hbm>>
    tpu.enqueue_indirect_dma source(%dma_start3A_22 : memref<10240x64xf32, #tpu.memory_space<hbm>>) target(%arg11 : memref<125x64xf32, #tpu.memory_space<vmem>>) offsets(%dma_start3A_19 : memref<125xi32, #tpu.memory_space<vmem>>) semaphore(%arg16 : memref<!tpu.dma_semaphore, #tpu.memory_space<semaphore_mem>>)
    %dma_start3A_23 = arith.constant 3 : i32
    %dma_start3A_24 = arith.constant 0 : i32
    %dma_start3A_25 = tpu.memref_slice %arg7[%dma_start3A_23, %dma_start3A_24] : memref<80x125xi32, #tpu.memory_space<vmem>> -> memref<1x125xi32, #tpu.memory_space<vmem>>
    %dma_start3A_26 = tpu.memref_squeeze %dma_start3A_25 : memref<1x125xi32, #tpu.memory_space<vmem>> -> memref<125xi32, #tpu.memory_space<vmem>>
    %dma_start3A_27 = arith.constant 0 : i32
    %dma_start3A_28 = arith.constant 0 : i32
    %dma_start3A_29 = tpu.memref_slice %arg2[%dma_start3A_27, %dma_start3A_28] : memref<10240x64xf32, #tpu.memory_space<hbm>> -> memref<10240x64xf32, #tpu.memory_space<hbm>>
    tpu.enqueue_indirect_dma source(%dma_start3A_29 : memref<10240x64xf32, #tpu.memory_space<hbm>>) target(%arg12 : memref<125x64xf32, #tpu.memory_space<vmem>>) offsets(%dma_start3A_26 : memref<125xi32, #tpu.memory_space<vmem>>) semaphore(%arg17 : memref<!tpu.dma_semaphore, #tpu.memory_space<semaphore_mem>>)
    %scan3A = arith.constant 0 : i32
    %scan3A_30 = arith.constant 19 : i32
    %scan3A_31 = arith.addi %scan3A, %scan3A_30 : i32
    %scan3A_32 = arith.constant 1 : i32
    scf.for %scan3A_64 = %scan3A to %scan3A_31 step %scan3A_32  : i32 {
      %mul3A_65 = arith.constant 4 : i32
      %mul3A_66 = arith.muli %scan3A_64, %mul3A_65 : i32
      %add3A_67 = arith.constant 0 : i32
      %add3A_68 = arith.addi %add3A_67, %mul3A_66 : i32
      %dma_wait3A_69 = arith.constant 0 : i32
      %dma_wait3A_70 = arith.constant 0 : i32
      %dma_wait3A_71 = tpu.memref_slice %arg2[%dma_wait3A_69, %dma_wait3A_70] : memref<10240x64xf32, #tpu.memory_space<hbm>> -> memref<125x64xf32, #tpu.memory_space<hbm>>
      %dma_wait3A_72 = arith.constant 0 : i32
      %dma_wait3A_73 = arith.constant 0 : i32
      %dma_wait3A_74 = tpu.memref_slice %arg2[%dma_wait3A_72, %dma_wait3A_73] : memref<10240x64xf32, #tpu.memory_space<hbm>> -> memref<125x64xf32, #tpu.memory_space<hbm>>
      tpu.wait_dma2 semaphore(%arg14 : memref<!tpu.dma_semaphore, #tpu.memory_space<semaphore_mem>>) src(%dma_wait3A_74 : memref<125x64xf32, #tpu.memory_space<hbm>>) dst(%arg9 : memref<125x64xf32, #tpu.memory_space<vmem>>)
      %add3A_75 = arith.constant 0 : i32
      %add3A_76 = arith.addi %add3A_68, %add3A_75 : i32
      "tpu.region"() ({
        %run_scoped3A_141 = tpu.sem_alloc : memref<!tpu.dma_semaphore, #tpu.memory_space<semaphore_mem>>
        %dma_start3A_142 = arith.constant 0 : i32
        %dma_start3A_143 = tpu.memref_slice %arg8[%add3A_76, %dma_start3A_142] : memref<80x125xi32, #tpu.memory_space<vmem>> -> memref<1x125xi32, #tpu.memory_space<vmem>>
        %dma_start3A_144 = tpu.memref_squeeze %dma_start3A_143 : memref<1x125xi32, #tpu.memory_space<vmem>> -> memref<125xi32, #tpu.memory_space<vmem>>
        %dma_start3A_145 = arith.constant 0 : i32
        %dma_start3A_146 = arith.constant 0 : i32
        %dma_start3A_147 = tpu.memref_slice %arg13[%dma_start3A_145, %dma_start3A_146] : memref<10240x64xf32, #tpu.memory_space<vmem_shared>> -> memref<10240x64xf32, #tpu.memory_space<vmem_shared>>
        tpu.enqueue_indirect_dma source(%arg9 : memref<125x64xf32, #tpu.memory_space<vmem>>) target(%dma_start3A_147 : memref<10240x64xf32, #tpu.memory_space<vmem_shared>>) offsets(%dma_start3A_144 : memref<125xi32, #tpu.memory_space<vmem>>) semaphore(%run_scoped3A_141 : memref<!tpu.dma_semaphore, #tpu.memory_space<semaphore_mem>>) {add = true}
        %dma_wait3A_148 = arith.constant 0 : i32
        %dma_wait3A_149 = tpu.memref_slice %arg8[%add3A_76, %dma_wait3A_148] : memref<80x125xi32, #tpu.memory_space<vmem>> -> memref<1x125xi32, #tpu.memory_space<vmem>>
        %dma_wait3A_150 = tpu.memref_squeeze %dma_wait3A_149 : memref<1x125xi32, #tpu.memory_space<vmem>> -> memref<125xi32, #tpu.memory_space<vmem>>
        %dma_wait3A_151 = arith.constant 0 : i32
        %dma_wait3A_152 = arith.constant 0 : i32
        %dma_wait3A_153 = tpu.memref_slice %arg13[%dma_wait3A_151, %dma_wait3A_152] : memref<10240x64xf32, #tpu.memory_space<vmem_shared>> -> memref<10240x64xf32, #tpu.memory_space<vmem_shared>>
        tpu.wait_indirect_dma semaphore(%run_scoped3A_141 : memref<!tpu.dma_semaphore, #tpu.memory_space<semaphore_mem>>) src(%arg9 : memref<125x64xf32, #tpu.memory_space<vmem>>) dst(%dma_wait3A_153 : memref<10240x64xf32, #tpu.memory_space<vmem_shared>>)
        tpu.yield
      }) : () -> ()
      %add3A_77 = arith.constant 4 : i32
      %add3A_78 = arith.addi %add3A_68, %add3A_77 : i32
      %add3A_79 = arith.constant 0 : i32
      %add3A_80 = arith.addi %add3A_78, %add3A_79 : i32
      %dma_start3A_81 = arith.constant 0 : i32
      %dma_start3A_82 = tpu.memref_slice %arg7[%add3A_80, %dma_start3A_81] : memref<80x125xi32, #tpu.memory_space<vmem>> -> memref<1x125xi32, #tpu.memory_space<vmem>>
      %dma_start3A_83 = tpu.memref_squeeze %dma_start3A_82 : memref<1x125xi32, #tpu.memory_space<vmem>> -> memref<125xi32, #tpu.memory_space<vmem>>
      %dma_start3A_84 = arith.constant 0 : i32
      %dma_start3A_85 = arith.constant 0 : i32
      %dma_start3A_86 = tpu.memref_slice %arg2[%dma_start3A_84, %dma_start3A_85] : memref<10240x64xf32, #tpu.memory_space<hbm>> -> memref<10240x64xf32, #tpu.memory_space<hbm>>
      tpu.enqueue_indirect_dma source(%dma_start3A_86 : memref<10240x64xf32, #tpu.memory_space<hbm>>) target(%arg9 : memref<125x64xf32, #tpu.memory_space<vmem>>) offsets(%dma_start3A_83 : memref<125xi32, #tpu.memory_space<vmem>>) semaphore(%arg14 : memref<!tpu.dma_semaphore, #tpu.memory_space<semaphore_mem>>)
      %dma_wait3A_87 = arith.constant 0 : i32
      %dma_wait3A_88 = arith.constant 0 : i32
      %dma_wait3A_89 = tpu.memref_slice %arg2[%dma_wait3A_87, %dma_wait3A_88] : memref<10240x64xf32, #tpu.memory_space<hbm>> -> memref<125x64xf32, #tpu.memory_space<hbm>>
      %dma_wait3A_90 = arith.constant 0 : i32
      %dma_wait3A_91 = arith.constant 0 : i32
      %dma_wait3A_92 = tpu.memref_slice %arg2[%dma_wait3A_90, %dma_wait3A_91] : memref<10240x64xf32, #tpu.memory_space<hbm>> -> memref<125x64xf32, #tpu.memory_space<hbm>>
      tpu.wait_dma2 semaphore(%arg15 : memref<!tpu.dma_semaphore, #tpu.memory_space<semaphore_mem>>) src(%dma_wait3A_92 : memref<125x64xf32, #tpu.memory_space<hbm>>) dst(%arg10 : memref<125x64xf32, #tpu.memory_space<vmem>>)
      %add3A_93 = arith.constant 1 : i32
      %add3A_94 = arith.addi %add3A_68, %add3A_93 : i32
      "tpu.region"() ({
        %run_scoped3A_141 = tpu.sem_alloc : memref<!tpu.dma_semaphore, #tpu.memory_space<semaphore_mem>>
        %dma_start3A_142 = arith.constant 0 : i32
        %dma_start3A_143 = tpu.memref_slice %arg8[%add3A_94, %dma_start3A_142] : memref<80x125xi32, #tpu.memory_space<vmem>> -> memref<1x125xi32, #tpu.memory_space<vmem>>
        %dma_start3A_144 = tpu.memref_squeeze %dma_start3A_143 : memref<1x125xi32, #tpu.memory_space<vmem>> -> memref<125xi32, #tpu.memory_space<vmem>>
        %dma_start3A_145 = arith.constant 0 : i32
        %dma_start3A_146 = arith.constant 0 : i32
        %dma_start3A_147 = tpu.memref_slice %arg13[%dma_start3A_145, %dma_start3A_146] : memref<10240x64xf32, #tpu.memory_space<vmem_shared>> -> memref<10240x64xf32, #tpu.memory_space<vmem_shared>>
        tpu.enqueue_indirect_dma source(%arg10 : memref<125x64xf32, #tpu.memory_space<vmem>>) target(%dma_start3A_147 : memref<10240x64xf32, #tpu.memory_space<vmem_shared>>) offsets(%dma_start3A_144 : memref<125xi32, #tpu.memory_space<vmem>>) semaphore(%run_scoped3A_141 : memref<!tpu.dma_semaphore, #tpu.memory_space<semaphore_mem>>) {add = true}
        %dma_wait3A_148 = arith.constant 0 : i32
        %dma_wait3A_149 = tpu.memref_slice %arg8[%add3A_94, %dma_wait3A_148] : memref<80x125xi32, #tpu.memory_space<vmem>> -> memref<1x125xi32, #tpu.memory_space<vmem>>
        %dma_wait3A_150 = tpu.memref_squeeze %dma_wait3A_149 : memref<1x125xi32, #tpu.memory_space<vmem>> -> memref<125xi32, #tpu.memory_space<vmem>>
        %dma_wait3A_151 = arith.constant 0 : i32
        %dma_wait3A_152 = arith.constant 0 : i32
        %dma_wait3A_153 = tpu.memref_slice %arg13[%dma_wait3A_151, %dma_wait3A_152] : memref<10240x64xf32, #tpu.memory_space<vmem_shared>> -> memref<10240x64xf32, #tpu.memory_space<vmem_shared>>
        tpu.wait_indirect_dma semaphore(%run_scoped3A_141 : memref<!tpu.dma_semaphore, #tpu.memory_space<semaphore_mem>>) src(%arg10 : memref<125x64xf32, #tpu.memory_space<vmem>>) dst(%dma_wait3A_153 : memref<10240x64xf32, #tpu.memory_space<vmem_shared>>)
        tpu.yield
      }) : () -> ()
      %add3A_95 = arith.constant 4 : i32
      %add3A_96 = arith.addi %add3A_68, %add3A_95 : i32
      %add3A_97 = arith.constant 1 : i32
      %add3A_98 = arith.addi %add3A_96, %add3A_97 : i32
      %dma_start3A_99 = arith.constant 0 : i32
      %dma_start3A_100 = tpu.memref_slice %arg7[%add3A_98, %dma_start3A_99] : memref<80x125xi32, #tpu.memory_space<vmem>> -> memref<1x125xi32, #tpu.memory_space<vmem>>
      %dma_start3A_101 = tpu.memref_squeeze %dma_start3A_100 : memref<1x125xi32, #tpu.memory_space<vmem>> -> memref<125xi32, #tpu.memory_space<vmem>>
      %dma_start3A_102 = arith.constant 0 : i32
      %dma_start3A_103 = arith.constant 0 : i32
      %dma_start3A_104 = tpu.memref_slice %arg2[%dma_start3A_102, %dma_start3A_103] : memref<10240x64xf32, #tpu.memory_space<hbm>> -> memref<10240x64xf32, #tpu.memory_space<hbm>>
      tpu.enqueue_indirect_dma source(%dma_start3A_104 : memref<10240x64xf32, #tpu.memory_space<hbm>>) target(%arg10 : memref<125x64xf32, #tpu.memory_space<vmem>>) offsets(%dma_start3A_101 : memref<125xi32, #tpu.memory_space<vmem>>) semaphore(%arg15 : memref<!tpu.dma_semaphore, #tpu.memory_space<semaphore_mem>>)
      %dma_wait3A_105 = arith.constant 0 : i32
      %dma_wait3A_106 = arith.constant 0 : i32
      %dma_wait3A_107 = tpu.memref_slice %arg2[%dma_wait3A_105, %dma_wait3A_106] : memref<10240x64xf32, #tpu.memory_space<hbm>> -> memref<125x64xf32, #tpu.memory_space<hbm>>
      %dma_wait3A_108 = arith.constant 0 : i32
      %dma_wait3A_109 = arith.constant 0 : i32
      %dma_wait3A_110 = tpu.memref_slice %arg2[%dma_wait3A_108, %dma_wait3A_109] : memref<10240x64xf32, #tpu.memory_space<hbm>> -> memref<125x64xf32, #tpu.memory_space<hbm>>
      tpu.wait_dma2 semaphore(%arg16 : memref<!tpu.dma_semaphore, #tpu.memory_space<semaphore_mem>>) src(%dma_wait3A_110 : memref<125x64xf32, #tpu.memory_space<hbm>>) dst(%arg11 : memref<125x64xf32, #tpu.memory_space<vmem>>)
      %add3A_111 = arith.constant 2 : i32
      %add3A_112 = arith.addi %add3A_68, %add3A_111 : i32
      "tpu.region"() ({
        %run_scoped3A_141 = tpu.sem_alloc : memref<!tpu.dma_semaphore, #tpu.memory_space<semaphore_mem>>
        %dma_start3A_142 = arith.constant 0 : i32
        %dma_start3A_143 = tpu.memref_slice %arg8[%add3A_112, %dma_start3A_142] : memref<80x125xi32, #tpu.memory_space<vmem>> -> memref<1x125xi32, #tpu.memory_space<vmem>>
        %dma_start3A_144 = tpu.memref_squeeze %dma_start3A_143 : memref<1x125xi32, #tpu.memory_space<vmem>> -> memref<125xi32, #tpu.memory_space<vmem>>
        %dma_start3A_145 = arith.constant 0 : i32
        %dma_start3A_146 = arith.constant 0 : i32
        %dma_start3A_147 = tpu.memref_slice %arg13[%dma_start3A_145, %dma_start3A_146] : memref<10240x64xf32, #tpu.memory_space<vmem_shared>> -> memref<10240x64xf32, #tpu.memory_space<vmem_shared>>
        tpu.enqueue_indirect_dma source(%arg11 : memref<125x64xf32, #tpu.memory_space<vmem>>) target(%dma_start3A_147 : memref<10240x64xf32, #tpu.memory_space<vmem_shared>>) offsets(%dma_start3A_144 : memref<125xi32, #tpu.memory_space<vmem>>) semaphore(%run_scoped3A_141 : memref<!tpu.dma_semaphore, #tpu.memory_space<semaphore_mem>>) {add = true}
        %dma_wait3A_148 = arith.constant 0 : i32
        %dma_wait3A_149 = tpu.memref_slice %arg8[%add3A_112, %dma_wait3A_148] : memref<80x125xi32, #tpu.memory_space<vmem>> -> memref<1x125xi32, #tpu.memory_space<vmem>>
        %dma_wait3A_150 = tpu.memref_squeeze %dma_wait3A_149 : memref<1x125xi32, #tpu.memory_space<vmem>> -> memref<125xi32, #tpu.memory_space<vmem>>
        %dma_wait3A_151 = arith.constant 0 : i32
        %dma_wait3A_152 = arith.constant 0 : i32
        %dma_wait3A_153 = tpu.memref_slice %arg13[%dma_wait3A_151, %dma_wait3A_152] : memref<10240x64xf32, #tpu.memory_space<vmem_shared>> -> memref<10240x64xf32, #tpu.memory_space<vmem_shared>>
        tpu.wait_indirect_dma semaphore(%run_scoped3A_141 : memref<!tpu.dma_semaphore, #tpu.memory_space<semaphore_mem>>) src(%arg11 : memref<125x64xf32, #tpu.memory_space<vmem>>) dst(%dma_wait3A_153 : memref<10240x64xf32, #tpu.memory_space<vmem_shared>>)
        tpu.yield
      }) : () -> ()
      %add3A_113 = arith.constant 4 : i32
      %add3A_114 = arith.addi %add3A_68, %add3A_113 : i32
      %add3A_115 = arith.constant 2 : i32
      %add3A_116 = arith.addi %add3A_114, %add3A_115 : i32
      %dma_start3A_117 = arith.constant 0 : i32
      %dma_start3A_118 = tpu.memref_slice %arg7[%add3A_116, %dma_start3A_117] : memref<80x125xi32, #tpu.memory_space<vmem>> -> memref<1x125xi32, #tpu.memory_space<vmem>>
      %dma_start3A_119 = tpu.memref_squeeze %dma_start3A_118 : memref<1x125xi32, #tpu.memory_space<vmem>> -> memref<125xi32, #tpu.memory_space<vmem>>
      %dma_start3A_120 = arith.constant 0 : i32
      %dma_start3A_121 = arith.constant 0 : i32
      %dma_start3A_122 = tpu.memref_slice %arg2[%dma_start3A_120, %dma_start3A_121] : memref<10240x64xf32, #tpu.memory_space<hbm>> -> memref<10240x64xf32, #tpu.memory_space<hbm>>
      tpu.enqueue_indirect_dma source(%dma_start3A_122 : memref<10240x64xf32, #tpu.memory_space<hbm>>) target(%arg11 : memref<125x64xf32, #tpu.memory_space<vmem>>) offsets(%dma_start3A_119 : memref<125xi32, #tpu.memory_space<vmem>>) semaphore(%arg16 : memref<!tpu.dma_semaphore, #tpu.memory_space<semaphore_mem>>)
      %dma_wait3A_123 = arith.constant 0 : i32
      %dma_wait3A_124 = arith.constant 0 : i32
      %dma_wait3A_125 = tpu.memref_slice %arg2[%dma_wait3A_123, %dma_wait3A_124] : memref<10240x64xf32, #tpu.memory_space<hbm>> -> memref<125x64xf32, #tpu.memory_space<hbm>>
      %dma_wait3A_126 = arith.constant 0 : i32
      %dma_wait3A_127 = arith.constant 0 : i32
      %dma_wait3A_128 = tpu.memref_slice %arg2[%dma_wait3A_126, %dma_wait3A_127] : memref<10240x64xf32, #tpu.memory_space<hbm>> -> memref<125x64xf32, #tpu.memory_space<hbm>>
      tpu.wait_dma2 semaphore(%arg17 : memref<!tpu.dma_semaphore, #tpu.memory_space<semaphore_mem>>) src(%dma_wait3A_128 : memref<125x64xf32, #tpu.memory_space<hbm>>) dst(%arg12 : memref<125x64xf32, #tpu.memory_space<vmem>>)
      %add3A_129 = arith.constant 3 : i32
      %add3A_130 = arith.addi %add3A_68, %add3A_129 : i32
      "tpu.region"() ({
        %run_scoped3A_141 = tpu.sem_alloc : memref<!tpu.dma_semaphore, #tpu.memory_space<semaphore_mem>>
        %dma_start3A_142 = arith.constant 0 : i32
        %dma_start3A_143 = tpu.memref_slice %arg8[%add3A_130, %dma_start3A_142] : memref<80x125xi32, #tpu.memory_space<vmem>> -> memref<1x125xi32, #tpu.memory_space<vmem>>
        %dma_start3A_144 = tpu.memref_squeeze %dma_start3A_143 : memref<1x125xi32, #tpu.memory_space<vmem>> -> memref<125xi32, #tpu.memory_space<vmem>>
        %dma_start3A_145 = arith.constant 0 : i32
        %dma_start3A_146 = arith.constant 0 : i32
        %dma_start3A_147 = tpu.memref_slice %arg13[%dma_start3A_145, %dma_start3A_146] : memref<10240x64xf32, #tpu.memory_space<vmem_shared>> -> memref<10240x64xf32, #tpu.memory_space<vmem_shared>>
        tpu.enqueue_indirect_dma source(%arg12 : memref<125x64xf32, #tpu.memory_space<vmem>>) target(%dma_start3A_147 : memref<10240x64xf32, #tpu.memory_space<vmem_shared>>) offsets(%dma_start3A_144 : memref<125xi32, #tpu.memory_space<vmem>>) semaphore(%run_scoped3A_141 : memref<!tpu.dma_semaphore, #tpu.memory_space<semaphore_mem>>) {add = true}
        %dma_wait3A_148 = arith.constant 0 : i32
        %dma_wait3A_149 = tpu.memref_slice %arg8[%add3A_130, %dma_wait3A_148] : memref<80x125xi32, #tpu.memory_space<vmem>> -> memref<1x125xi32, #tpu.memory_space<vmem>>
        %dma_wait3A_150 = tpu.memref_squeeze %dma_wait3A_149 : memref<1x125xi32, #tpu.memory_space<vmem>> -> memref<125xi32, #tpu.memory_space<vmem>>
        %dma_wait3A_151 = arith.constant 0 : i32
        %dma_wait3A_152 = arith.constant 0 : i32
        %dma_wait3A_153 = tpu.memref_slice %arg13[%dma_wait3A_151, %dma_wait3A_152] : memref<10240x64xf32, #tpu.memory_space<vmem_shared>> -> memref<10240x64xf32, #tpu.memory_space<vmem_shared>>
        tpu.wait_indirect_dma semaphore(%run_scoped3A_141 : memref<!tpu.dma_semaphore, #tpu.memory_space<semaphore_mem>>) src(%arg12 : memref<125x64xf32, #tpu.memory_space<vmem>>) dst(%dma_wait3A_153 : memref<10240x64xf32, #tpu.memory_space<vmem_shared>>)
        tpu.yield
      }) : () -> ()
      %add3A_131 = arith.constant 4 : i32
      %add3A_132 = arith.addi %add3A_68, %add3A_131 : i32
      %add3A_133 = arith.constant 3 : i32
      %add3A_134 = arith.addi %add3A_132, %add3A_133 : i32
      %dma_start3A_135 = arith.constant 0 : i32
      %dma_start3A_136 = tpu.memref_slice %arg7[%add3A_134, %dma_start3A_135] : memref<80x125xi32, #tpu.memory_space<vmem>> -> memref<1x125xi32, #tpu.memory_space<vmem>>
      %dma_start3A_137 = tpu.memref_squeeze %dma_start3A_136 : memref<1x125xi32, #tpu.memory_space<vmem>> -> memref<125xi32, #tpu.memory_space<vmem>>
      %dma_start3A_138 = arith.constant 0 : i32
      %dma_start3A_139 = arith.constant 0 : i32
      %dma_start3A_140 = tpu.memref_slice %arg2[%dma_start3A_138, %dma_start3A_139] : memref<10240x64xf32, #tpu.memory_space<hbm>> -> memref<10240x64xf32, #tpu.memory_space<hbm>>
      tpu.enqueue_indirect_dma source(%dma_start3A_140 : memref<10240x64xf32, #tpu.memory_space<hbm>>) target(%arg12 : memref<125x64xf32, #tpu.memory_space<vmem>>) offsets(%dma_start3A_137 : memref<125xi32, #tpu.memory_space<vmem>>) semaphore(%arg17 : memref<!tpu.dma_semaphore, #tpu.memory_space<semaphore_mem>>)
    }
    %scan3A_33 = arith.constant 19 : i32
    %dma_wait3A = arith.constant 0 : i32
    %dma_wait3A_34 = arith.constant 0 : i32
    %dma_wait3A_35 = tpu.memref_slice %arg2[%dma_wait3A, %dma_wait3A_34] : memref<10240x64xf32, #tpu.memory_space<hbm>> -> memref<125x64xf32, #tpu.memory_space<hbm>>
    %dma_wait3A_36 = arith.constant 0 : i32
    %dma_wait3A_37 = arith.constant 0 : i32
    %dma_wait3A_38 = tpu.memref_slice %arg2[%dma_wait3A_36, %dma_wait3A_37] : memref<10240x64xf32, #tpu.memory_space<hbm>> -> memref<125x64xf32, #tpu.memory_space<hbm>>
    tpu.wait_dma2 semaphore(%arg14 : memref<!tpu.dma_semaphore, #tpu.memory_space<semaphore_mem>>) src(%dma_wait3A_38 : memref<125x64xf32, #tpu.memory_space<hbm>>) dst(%arg9 : memref<125x64xf32, #tpu.memory_space<vmem>>)
    %run_scoped3A = arith.constant 76 : i32
    "tpu.region"() ({
      %run_scoped3A_64 = tpu.sem_alloc : memref<!tpu.dma_semaphore, #tpu.memory_space<semaphore_mem>>
      %dma_start3A_65 = arith.constant 0 : i32
      %dma_start3A_66 = tpu.memref_slice %arg8[%run_scoped3A, %dma_start3A_65] : memref<80x125xi32, #tpu.memory_space<vmem>> -> memref<1x125xi32, #tpu.memory_space<vmem>>
      %dma_start3A_67 = tpu.memref_squeeze %dma_start3A_66 : memref<1x125xi32, #tpu.memory_space<vmem>> -> memref<125xi32, #tpu.memory_space<vmem>>
      %dma_start3A_68 = arith.constant 0 : i32
      %dma_start3A_69 = arith.constant 0 : i32
      %dma_start3A_70 = tpu.memref_slice %arg13[%dma_start3A_68, %dma_start3A_69] : memref<10240x64xf32, #tpu.memory_space<vmem_shared>> -> memref<10240x64xf32, #tpu.memory_space<vmem_shared>>
      tpu.enqueue_indirect_dma source(%arg9 : memref<125x64xf32, #tpu.memory_space<vmem>>) target(%dma_start3A_70 : memref<10240x64xf32, #tpu.memory_space<vmem_shared>>) offsets(%dma_start3A_67 : memref<125xi32, #tpu.memory_space<vmem>>) semaphore(%run_scoped3A_64 : memref<!tpu.dma_semaphore, #tpu.memory_space<semaphore_mem>>) {add = true}
      %dma_wait3A_71 = arith.constant 0 : i32
      %dma_wait3A_72 = tpu.memref_slice %arg8[%run_scoped3A, %dma_wait3A_71] : memref<80x125xi32, #tpu.memory_space<vmem>> -> memref<1x125xi32, #tpu.memory_space<vmem>>
      %dma_wait3A_73 = tpu.memref_squeeze %dma_wait3A_72 : memref<1x125xi32, #tpu.memory_space<vmem>> -> memref<125xi32, #tpu.memory_space<vmem>>
      %dma_wait3A_74 = arith.constant 0 : i32
      %dma_wait3A_75 = arith.constant 0 : i32
      %dma_wait3A_76 = tpu.memref_slice %arg13[%dma_wait3A_74, %dma_wait3A_75] : memref<10240x64xf32, #tpu.memory_space<vmem_shared>> -> memref<10240x64xf32, #tpu.memory_space<vmem_shared>>
      tpu.wait_indirect_dma semaphore(%run_scoped3A_64 : memref<!tpu.dma_semaphore, #tpu.memory_space<semaphore_mem>>) src(%arg9 : memref<125x64xf32, #tpu.memory_space<vmem>>) dst(%dma_wait3A_76 : memref<10240x64xf32, #tpu.memory_space<vmem_shared>>)
      tpu.yield
    }) : () -> ()
    %dma_wait3A_39 = arith.constant 0 : i32
    %dma_wait3A_40 = arith.constant 0 : i32
    %dma_wait3A_41 = tpu.memref_slice %arg2[%dma_wait3A_39, %dma_wait3A_40] : memref<10240x64xf32, #tpu.memory_space<hbm>> -> memref<125x64xf32, #tpu.memory_space<hbm>>
    %dma_wait3A_42 = arith.constant 0 : i32
    %dma_wait3A_43 = arith.constant 0 : i32
    %dma_wait3A_44 = tpu.memref_slice %arg2[%dma_wait3A_42, %dma_wait3A_43] : memref<10240x64xf32, #tpu.memory_space<hbm>> -> memref<125x64xf32, #tpu.memory_space<hbm>>
    tpu.wait_dma2 semaphore(%arg15 : memref<!tpu.dma_semaphore, #tpu.memory_space<semaphore_mem>>) src(%dma_wait3A_44 : memref<125x64xf32, #tpu.memory_space<hbm>>) dst(%arg10 : memref<125x64xf32, #tpu.memory_space<vmem>>)
    %run_scoped3A_45 = arith.constant 77 : i32
    "tpu.region"() ({
      %run_scoped3A_64 = tpu.sem_alloc : memref<!tpu.dma_semaphore, #tpu.memory_space<semaphore_mem>>
      %dma_start3A_65 = arith.constant 0 : i32
      %dma_start3A_66 = tpu.memref_slice %arg8[%run_scoped3A_45, %dma_start3A_65] : memref<80x125xi32, #tpu.memory_space<vmem>> -> memref<1x125xi32, #tpu.memory_space<vmem>>
      %dma_start3A_67 = tpu.memref_squeeze %dma_start3A_66 : memref<1x125xi32, #tpu.memory_space<vmem>> -> memref<125xi32, #tpu.memory_space<vmem>>
      %dma_start3A_68 = arith.constant 0 : i32
      %dma_start3A_69 = arith.constant 0 : i32
      %dma_start3A_70 = tpu.memref_slice %arg13[%dma_start3A_68, %dma_start3A_69] : memref<10240x64xf32, #tpu.memory_space<vmem_shared>> -> memref<10240x64xf32, #tpu.memory_space<vmem_shared>>
      tpu.enqueue_indirect_dma source(%arg10 : memref<125x64xf32, #tpu.memory_space<vmem>>) target(%dma_start3A_70 : memref<10240x64xf32, #tpu.memory_space<vmem_shared>>) offsets(%dma_start3A_67 : memref<125xi32, #tpu.memory_space<vmem>>) semaphore(%run_scoped3A_64 : memref<!tpu.dma_semaphore, #tpu.memory_space<semaphore_mem>>) {add = true}
      %dma_wait3A_71 = arith.constant 0 : i32
      %dma_wait3A_72 = tpu.memref_slice %arg8[%run_scoped3A_45, %dma_wait3A_71] : memref<80x125xi32, #tpu.memory_space<vmem>> -> memref<1x125xi32, #tpu.memory_space<vmem>>
      %dma_wait3A_73 = tpu.memref_squeeze %dma_wait3A_72 : memref<1x125xi32, #tpu.memory_space<vmem>> -> memref<125xi32, #tpu.memory_space<vmem>>
      %dma_wait3A_74 = arith.constant 0 : i32
      %dma_wait3A_75 = arith.constant 0 : i32
      %dma_wait3A_76 = tpu.memref_slice %arg13[%dma_wait3A_74, %dma_wait3A_75] : memref<10240x64xf32, #tpu.memory_space<vmem_shared>> -> memref<10240x64xf32, #tpu.memory_space<vmem_shared>>
      tpu.wait_indirect_dma semaphore(%run_scoped3A_64 : memref<!tpu.dma_semaphore, #tpu.memory_space<semaphore_mem>>) src(%arg10 : memref<125x64xf32, #tpu.memory_space<vmem>>) dst(%dma_wait3A_76 : memref<10240x64xf32, #tpu.memory_space<vmem_shared>>)
      tpu.yield
    }) : () -> ()
    %dma_wait3A_46 = arith.constant 0 : i32
    %dma_wait3A_47 = arith.constant 0 : i32
    %dma_wait3A_48 = tpu.memref_slice %arg2[%dma_wait3A_46, %dma_wait3A_47] : memref<10240x64xf32, #tpu.memory_space<hbm>> -> memref<125x64xf32, #tpu.memory_space<hbm>>
    %dma_wait3A_49 = arith.constant 0 : i32
    %dma_wait3A_50 = arith.constant 0 : i32
    %dma_wait3A_51 = tpu.memref_slice %arg2[%dma_wait3A_49, %dma_wait3A_50] : memref<10240x64xf32, #tpu.memory_space<hbm>> -> memref<125x64xf32, #tpu.memory_space<hbm>>
    tpu.wait_dma2 semaphore(%arg16 : memref<!tpu.dma_semaphore, #tpu.memory_space<semaphore_mem>>) src(%dma_wait3A_51 : memref<125x64xf32, #tpu.memory_space<hbm>>) dst(%arg11 : memref<125x64xf32, #tpu.memory_space<vmem>>)
    %run_scoped3A_52 = arith.constant 78 : i32
    "tpu.region"() ({
      %run_scoped3A_64 = tpu.sem_alloc : memref<!tpu.dma_semaphore, #tpu.memory_space<semaphore_mem>>
      %dma_start3A_65 = arith.constant 0 : i32
      %dma_start3A_66 = tpu.memref_slice %arg8[%run_scoped3A_52, %dma_start3A_65] : memref<80x125xi32, #tpu.memory_space<vmem>> -> memref<1x125xi32, #tpu.memory_space<vmem>>
      %dma_start3A_67 = tpu.memref_squeeze %dma_start3A_66 : memref<1x125xi32, #tpu.memory_space<vmem>> -> memref<125xi32, #tpu.memory_space<vmem>>
      %dma_start3A_68 = arith.constant 0 : i32
      %dma_start3A_69 = arith.constant 0 : i32
      %dma_start3A_70 = tpu.memref_slice %arg13[%dma_start3A_68, %dma_start3A_69] : memref<10240x64xf32, #tpu.memory_space<vmem_shared>> -> memref<10240x64xf32, #tpu.memory_space<vmem_shared>>
      tpu.enqueue_indirect_dma source(%arg11 : memref<125x64xf32, #tpu.memory_space<vmem>>) target(%dma_start3A_70 : memref<10240x64xf32, #tpu.memory_space<vmem_shared>>) offsets(%dma_start3A_67 : memref<125xi32, #tpu.memory_space<vmem>>) semaphore(%run_scoped3A_64 : memref<!tpu.dma_semaphore, #tpu.memory_space<semaphore_mem>>) {add = true}
      %dma_wait3A_71 = arith.constant 0 : i32
      %dma_wait3A_72 = tpu.memref_slice %arg8[%run_scoped3A_52, %dma_wait3A_71] : memref<80x125xi32, #tpu.memory_space<vmem>> -> memref<1x125xi32, #tpu.memory_space<vmem>>
      %dma_wait3A_73 = tpu.memref_squeeze %dma_wait3A_72 : memref<1x125xi32, #tpu.memory_space<vmem>> -> memref<125xi32, #tpu.memory_space<vmem>>
      %dma_wait3A_74 = arith.constant 0 : i32
      %dma_wait3A_75 = arith.constant 0 : i32
      %dma_wait3A_76 = tpu.memref_slice %arg13[%dma_wait3A_74, %dma_wait3A_75] : memref<10240x64xf32, #tpu.memory_space<vmem_shared>> -> memref<10240x64xf32, #tpu.memory_space<vmem_shared>>
      tpu.wait_indirect_dma semaphore(%run_scoped3A_64 : memref<!tpu.dma_semaphore, #tpu.memory_space<semaphore_mem>>) src(%arg11 : memref<125x64xf32, #tpu.memory_space<vmem>>) dst(%dma_wait3A_76 : memref<10240x64xf32, #tpu.memory_space<vmem_shared>>)
      tpu.yield
    }) : () -> ()
    %dma_wait3A_53 = arith.constant 0 : i32
    %dma_wait3A_54 = arith.constant 0 : i32
    %dma_wait3A_55 = tpu.memref_slice %arg2[%dma_wait3A_53, %dma_wait3A_54] : memref<10240x64xf32, #tpu.memory_space<hbm>> -> memref<125x64xf32, #tpu.memory_space<hbm>>
    %dma_wait3A_56 = arith.constant 0 : i32
    %dma_wait3A_57 = arith.constant 0 : i32
    %dma_wait3A_58 = tpu.memref_slice %arg2[%dma_wait3A_56, %dma_wait3A_57] : memref<10240x64xf32, #tpu.memory_space<hbm>> -> memref<125x64xf32, #tpu.memory_space<hbm>>
    tpu.wait_dma2 semaphore(%arg17 : memref<!tpu.dma_semaphore, #tpu.memory_space<semaphore_mem>>) src(%dma_wait3A_58 : memref<125x64xf32, #tpu.memory_space<hbm>>) dst(%arg12 : memref<125x64xf32, #tpu.memory_space<vmem>>)
    %run_scoped3A_59 = arith.constant 79 : i32
    "tpu.region"() ({
      %run_scoped3A_64 = tpu.sem_alloc : memref<!tpu.dma_semaphore, #tpu.memory_space<semaphore_mem>>
      %dma_start3A_65 = arith.constant 0 : i32
      %dma_start3A_66 = tpu.memref_slice %arg8[%run_scoped3A_59, %dma_start3A_65] : memref<80x125xi32, #tpu.memory_space<vmem>> -> memref<1x125xi32, #tpu.memory_space<vmem>>
      %dma_start3A_67 = tpu.memref_squeeze %dma_start3A_66 : memref<1x125xi32, #tpu.memory_space<vmem>> -> memref<125xi32, #tpu.memory_space<vmem>>
      %dma_start3A_68 = arith.constant 0 : i32
      %dma_start3A_69 = arith.constant 0 : i32
      %dma_start3A_70 = tpu.memref_slice %arg13[%dma_start3A_68, %dma_start3A_69] : memref<10240x64xf32, #tpu.memory_space<vmem_shared>> -> memref<10240x64xf32, #tpu.memory_space<vmem_shared>>
      tpu.enqueue_indirect_dma source(%arg12 : memref<125x64xf32, #tpu.memory_space<vmem>>) target(%dma_start3A_70 : memref<10240x64xf32, #tpu.memory_space<vmem_shared>>) offsets(%dma_start3A_67 : memref<125xi32, #tpu.memory_space<vmem>>) semaphore(%run_scoped3A_64 : memref<!tpu.dma_semaphore, #tpu.memory_space<semaphore_mem>>) {add = true}
      %dma_wait3A_71 = arith.constant 0 : i32
      %dma_wait3A_72 = tpu.memref_slice %arg8[%run_scoped3A_59, %dma_wait3A_71] : memref<80x125xi32, #tpu.memory_space<vmem>> -> memref<1x125xi32, #tpu.memory_space<vmem>>
      %dma_wait3A_73 = tpu.memref_squeeze %dma_wait3A_72 : memref<1x125xi32, #tpu.memory_space<vmem>> -> memref<125xi32, #tpu.memory_space<vmem>>
      %dma_wait3A_74 = arith.constant 0 : i32
      %dma_wait3A_75 = arith.constant 0 : i32
      %dma_wait3A_76 = tpu.memref_slice %arg13[%dma_wait3A_74, %dma_wait3A_75] : memref<10240x64xf32, #tpu.memory_space<vmem_shared>> -> memref<10240x64xf32, #tpu.memory_space<vmem_shared>>
      tpu.wait_indirect_dma semaphore(%run_scoped3A_64 : memref<!tpu.dma_semaphore, #tpu.memory_space<semaphore_mem>>) src(%arg12 : memref<125x64xf32, #tpu.memory_space<vmem>>) dst(%dma_wait3A_76 : memref<10240x64xf32, #tpu.memory_space<vmem_shared>>)
      tpu.yield
    }) : () -> ()
    %barrier3A_60 = arith.constant 0 : index
    tpu.barrier barrier_id(%barrier3A_60)
    %mul3A_61 = arith.constant 10240 : i32
    %mul3A_62 = arith.muli %arg0, %mul3A_61 : i32
    %add3A_63 = arith.addi %mul3A_62, %mul3A_2 : i32
    "tpu.region"() ({
      %run_scoped3A_64 = tpu.sem_alloc : memref<!tpu.dma_semaphore, #tpu.memory_space<semaphore_mem>>
      %dma_start3A_65 = arith.constant 0 : i32
      %dma_start3A_66 = tpu.memref_slice %arg6[%add3A_63, %dma_start3A_65] : memref<20480x64xf32, #tpu.memory_space<hbm>> -> memref<640x64xf32, #tpu.memory_space<hbm>>
      %dma_start3A_67 = arith.constant 0 : i32
      %dma_start3A_68 = tpu.memref_slice %arg13[%mul3A_2, %dma_start3A_67] : memref<10240x64xf32, #tpu.memory_space<vmem_shared>> -> memref<640x64xf32, #tpu.memory_space<vmem_shared>>
      tpu.enqueue_dma source(%dma_start3A_68 : memref<640x64xf32, #tpu.memory_space<vmem_shared>>) target(%dma_start3A_66 : memref<640x64xf32, #tpu.memory_space<hbm>>) target_semaphore(%run_scoped3A_64 : memref<!tpu.dma_semaphore, #tpu.memory_space<semaphore_mem>>)
      %dma_wait3A_69 = arith.constant 0 : i32
      %dma_wait3A_70 = tpu.memref_slice %arg6[%add3A_63, %dma_wait3A_69] : memref<20480x64xf32, #tpu.memory_space<hbm>> -> memref<640x64xf32, #tpu.memory_space<hbm>>
      %dma_wait3A_71 = arith.constant 0 : i32
      %dma_wait3A_72 = tpu.memref_slice %arg13[%mul3A_2, %dma_wait3A_71] : memref<10240x64xf32, #tpu.memory_space<vmem_shared>> -> memref<640x64xf32, #tpu.memory_space<vmem_shared>>
      tpu.wait_dma2 semaphore(%run_scoped3A_64 : memref<!tpu.dma_semaphore, #tpu.memory_space<semaphore_mem>>) src(%dma_wait3A_72 : memref<640x64xf32, #tpu.memory_space<vmem_shared>>) dst(%dma_wait3A_70 : memref<640x64xf32, #tpu.memory_space<hbm>>)
      tpu.yield
    }) : () -> ()
    return
  }
}

#map = affine_map<(d0, d1) -> (0, 0)>
#map1 = affine_map<(d0, d1) -> (0, 0, 0)>
module attributes {stable_mosaic.version = 14 : i64} {
  func.func @_msg_kernel(%arg0: i32, %arg1: i32, %arg2: memref<10240x64xf32, #tpu.memory_space<hbm>>, %arg3: memref<32x80x125xi32, #tpu.memory_space<hbm>>, %arg4: memref<32x80x125xi32, #tpu.memory_space<hbm>>, %arg5: memref<10240x64xf32, #tpu.memory_space<hbm>>, %arg6: memref<20480x64xf32, #tpu.memory_space<hbm>>, %arg7: memref<80x125xi32, #tpu.memory_space<vmem>>, %arg8: memref<80x125xi32, #tpu.memory_space<vmem>>, %arg9: memref<125x64xf32, #tpu.memory_space<vmem>>, %arg10: memref<125x64xf32, #tpu.memory_space<vmem>>, %arg11: memref<125x64xf32, #tpu.memory_space<vmem>>, %arg12: memref<125x64xf32, #tpu.memory_space<vmem>>, %arg13: memref<10240x64xf32, #tpu.memory_space<vmem_shared>>, %arg14: memref<!tpu.dma_semaphore, #tpu.memory_space<semaphore_mem>>, %arg15: memref<!tpu.dma_semaphore, #tpu.memory_space<semaphore_mem>>, %arg16: memref<!tpu.dma_semaphore, #tpu.memory_space<semaphore_mem>>, %arg17: memref<!tpu.dma_semaphore, #tpu.memory_space<semaphore_mem>>) attributes {dimension_semantics = [#tpu.dimension_semantics<core_parallel>, #tpu.dimension_semantics<subcore_parallel>], iteration_bounds = array<i64: 2, 16>, scalar_prefetch = 0 : i64, scratch_operands = 11 : i64, tpu.core_type = #tpu.core_type<sc_vector_subcore>, window_params = [{transform_indices = #map}, {transform_indices = #map1}, {transform_indices = #map1}, {transform_indices = #map}, {transform_indices = #map}]} {
    %mul3A = arith.constant 16 : i32
    %mul3A_0 = arith.muli %arg0, %mul3A : i32
    %add3A = arith.addi %mul3A_0, %arg1 : i32
    %mul3A_1 = arith.constant 640 : i32
    %mul3A_2 = arith.muli %arg1, %mul3A_1 : i32
    "tpu.region"() ({
      %run_scoped3A_64 = tpu.sem_alloc : memref<!tpu.dma_semaphore, #tpu.memory_space<semaphore_mem>>
      %dma_start3A_65 = arith.constant 0 : i32
      %dma_start3A_66 = tpu.memref_slice %arg13[%mul3A_2, %dma_start3A_65] : memref<10240x64xf32, #tpu.memory_space<vmem_shared>> -> memref<640x64xf32, #tpu.memory_space<vmem_shared>>
      %dma_start3A_67 = arith.constant 0 : i32
      %dma_start3A_68 = tpu.memref_slice %arg5[%mul3A_2, %dma_start3A_67] : memref<10240x64xf32, #tpu.memory_space<hbm>> -> memref<640x64xf32, #tpu.memory_space<hbm>>
      tpu.enqueue_dma source(%dma_start3A_68 : memref<640x64xf32, #tpu.memory_space<hbm>>) target(%dma_start3A_66 : memref<640x64xf32, #tpu.memory_space<vmem_shared>>) target_semaphore(%run_scoped3A_64 : memref<!tpu.dma_semaphore, #tpu.memory_space<semaphore_mem>>)
      %dma_wait3A_69 = arith.constant 0 : i32
      %dma_wait3A_70 = tpu.memref_slice %arg13[%mul3A_2, %dma_wait3A_69] : memref<10240x64xf32, #tpu.memory_space<vmem_shared>> -> memref<640x64xf32, #tpu.memory_space<vmem_shared>>
      %dma_wait3A_71 = arith.constant 0 : i32
      %dma_wait3A_72 = tpu.memref_slice %arg5[%mul3A_2, %dma_wait3A_71] : memref<10240x64xf32, #tpu.memory_space<hbm>> -> memref<640x64xf32, #tpu.memory_space<hbm>>
      tpu.wait_dma2 semaphore(%run_scoped3A_64 : memref<!tpu.dma_semaphore, #tpu.memory_space<semaphore_mem>>) src(%dma_wait3A_72 : memref<640x64xf32, #tpu.memory_space<hbm>>) dst(%dma_wait3A_70 : memref<640x64xf32, #tpu.memory_space<vmem_shared>>)
      tpu.yield
    }) : () -> ()
    "tpu.region"() ({
      %run_scoped3A_64 = tpu.sem_alloc : memref<!tpu.dma_semaphore, #tpu.memory_space<semaphore_mem>>
      %dma_start3A_65 = arith.constant 0 : i32
      %dma_start3A_66 = arith.constant 0 : i32
      %dma_start3A_67 = tpu.memref_slice %arg3[%add3A, %dma_start3A_65, %dma_start3A_66] : memref<32x80x125xi32, #tpu.memory_space<hbm>> -> memref<1x80x125xi32, #tpu.memory_space<hbm>>
      %dma_start3A_68 = tpu.memref_squeeze %dma_start3A_67 : memref<1x80x125xi32, #tpu.memory_space<hbm>> -> memref<80x125xi32, #tpu.memory_space<hbm>>
      %dma_start3A_69 = arith.constant 0 : i32
      %dma_start3A_70 = arith.constant 0 : i32
      %dma_start3A_71 = tpu.memref_slice %arg3[%add3A, %dma_start3A_69, %dma_start3A_70] : memref<32x80x125xi32, #tpu.memory_space<hbm>> -> memref<1x80x125xi32, #tpu.memory_space<hbm>>
      %dma_start3A_72 = tpu.memref_squeeze %dma_start3A_71 : memref<1x80x125xi32, #tpu.memory_space<hbm>> -> memref<80x125xi32, #tpu.memory_space<hbm>>
      tpu.enqueue_dma source(%dma_start3A_72 : memref<80x125xi32, #tpu.memory_space<hbm>>) target(%arg7 : memref<80x125xi32, #tpu.memory_space<vmem>>) target_semaphore(%run_scoped3A_64 : memref<!tpu.dma_semaphore, #tpu.memory_space<semaphore_mem>>)
      %dma_wait3A_73 = arith.constant 0 : i32
      %dma_wait3A_74 = arith.constant 0 : i32
      %dma_wait3A_75 = tpu.memref_slice %arg3[%add3A, %dma_wait3A_73, %dma_wait3A_74] : memref<32x80x125xi32, #tpu.memory_space<hbm>> -> memref<1x80x125xi32, #tpu.memory_space<hbm>>
      %dma_wait3A_76 = tpu.memref_squeeze %dma_wait3A_75 : memref<1x80x125xi32, #tpu.memory_space<hbm>> -> memref<80x125xi32, #tpu.memory_space<hbm>>
      %dma_wait3A_77 = arith.constant 0 : i32
      %dma_wait3A_78 = arith.constant 0 : i32
      %dma_wait3A_79 = tpu.memref_slice %arg3[%add3A, %dma_wait3A_77, %dma_wait3A_78] : memref<32x80x125xi32, #tpu.memory_space<hbm>> -> memref<1x80x125xi32, #tpu.memory_space<hbm>>
      %dma_wait3A_80 = tpu.memref_squeeze %dma_wait3A_79 : memref<1x80x125xi32, #tpu.memory_space<hbm>> -> memref<80x125xi32, #tpu.memory_space<hbm>>
      tpu.wait_dma2 semaphore(%run_scoped3A_64 : memref<!tpu.dma_semaphore, #tpu.memory_space<semaphore_mem>>) src(%dma_wait3A_80 : memref<80x125xi32, #tpu.memory_space<hbm>>) dst(%arg7 : memref<80x125xi32, #tpu.memory_space<vmem>>)
      tpu.yield
    }) : () -> ()
    "tpu.region"() ({
      %run_scoped3A_64 = tpu.sem_alloc : memref<!tpu.dma_semaphore, #tpu.memory_space<semaphore_mem>>
      %dma_start3A_65 = arith.constant 0 : i32
      %dma_start3A_66 = arith.constant 0 : i32
      %dma_start3A_67 = tpu.memref_slice %arg4[%add3A, %dma_start3A_65, %dma_start3A_66] : memref<32x80x125xi32, #tpu.memory_space<hbm>> -> memref<1x80x125xi32, #tpu.memory_space<hbm>>
      %dma_start3A_68 = tpu.memref_squeeze %dma_start3A_67 : memref<1x80x125xi32, #tpu.memory_space<hbm>> -> memref<80x125xi32, #tpu.memory_space<hbm>>
      %dma_start3A_69 = arith.constant 0 : i32
      %dma_start3A_70 = arith.constant 0 : i32
      %dma_start3A_71 = tpu.memref_slice %arg4[%add3A, %dma_start3A_69, %dma_start3A_70] : memref<32x80x125xi32, #tpu.memory_space<hbm>> -> memref<1x80x125xi32, #tpu.memory_space<hbm>>
      %dma_start3A_72 = tpu.memref_squeeze %dma_start3A_71 : memref<1x80x125xi32, #tpu.memory_space<hbm>> -> memref<80x125xi32, #tpu.memory_space<hbm>>
      tpu.enqueue_dma source(%dma_start3A_72 : memref<80x125xi32, #tpu.memory_space<hbm>>) target(%arg8 : memref<80x125xi32, #tpu.memory_space<vmem>>) target_semaphore(%run_scoped3A_64 : memref<!tpu.dma_semaphore, #tpu.memory_space<semaphore_mem>>)
      %dma_wait3A_73 = arith.constant 0 : i32
      %dma_wait3A_74 = arith.constant 0 : i32
      %dma_wait3A_75 = tpu.memref_slice %arg4[%add3A, %dma_wait3A_73, %dma_wait3A_74] : memref<32x80x125xi32, #tpu.memory_space<hbm>> -> memref<1x80x125xi32, #tpu.memory_space<hbm>>
      %dma_wait3A_76 = tpu.memref_squeeze %dma_wait3A_75 : memref<1x80x125xi32, #tpu.memory_space<hbm>> -> memref<80x125xi32, #tpu.memory_space<hbm>>
      %dma_wait3A_77 = arith.constant 0 : i32
      %dma_wait3A_78 = arith.constant 0 : i32
      %dma_wait3A_79 = tpu.memref_slice %arg4[%add3A, %dma_wait3A_77, %dma_wait3A_78] : memref<32x80x125xi32, #tpu.memory_space<hbm>> -> memref<1x80x125xi32, #tpu.memory_space<hbm>>
      %dma_wait3A_80 = tpu.memref_squeeze %dma_wait3A_79 : memref<1x80x125xi32, #tpu.memory_space<hbm>> -> memref<80x125xi32, #tpu.memory_space<hbm>>
      tpu.wait_dma2 semaphore(%run_scoped3A_64 : memref<!tpu.dma_semaphore, #tpu.memory_space<semaphore_mem>>) src(%dma_wait3A_80 : memref<80x125xi32, #tpu.memory_space<hbm>>) dst(%arg8 : memref<80x125xi32, #tpu.memory_space<vmem>>)
      tpu.yield
    }) : () -> ()
    %barrier3A = arith.constant 0 : index
    tpu.barrier barrier_id(%barrier3A)
    %dma_start3A = arith.constant 0 : i32
    %dma_start3A_3 = arith.constant 0 : i32
    %dma_start3A_4 = tpu.memref_slice %arg7[%dma_start3A, %dma_start3A_3] : memref<80x125xi32, #tpu.memory_space<vmem>> -> memref<1x125xi32, #tpu.memory_space<vmem>>
    %dma_start3A_5 = tpu.memref_squeeze %dma_start3A_4 : memref<1x125xi32, #tpu.memory_space<vmem>> -> memref<125xi32, #tpu.memory_space<vmem>>
    %dma_start3A_6 = arith.constant 0 : i32
    %dma_start3A_7 = arith.constant 0 : i32
    %dma_start3A_8 = tpu.memref_slice %arg2[%dma_start3A_6, %dma_start3A_7] : memref<10240x64xf32, #tpu.memory_space<hbm>> -> memref<10240x64xf32, #tpu.memory_space<hbm>>
    tpu.enqueue_indirect_dma source(%dma_start3A_8 : memref<10240x64xf32, #tpu.memory_space<hbm>>) target(%arg9 : memref<125x64xf32, #tpu.memory_space<vmem>>) offsets(%dma_start3A_5 : memref<125xi32, #tpu.memory_space<vmem>>) semaphore(%arg14 : memref<!tpu.dma_semaphore, #tpu.memory_space<semaphore_mem>>)
    %dma_start3A_9 = arith.constant 1 : i32
    %dma_start3A_10 = arith.constant 0 : i32
    %dma_start3A_11 = tpu.memref_slice %arg7[%dma_start3A_9, %dma_start3A_10] : memref<80x125xi32, #tpu.memory_space<vmem>> -> memref<1x125xi32, #tpu.memory_space<vmem>>
    %dma_start3A_12 = tpu.memref_squeeze %dma_start3A_11 : memref<1x125xi32, #tpu.memory_space<vmem>> -> memref<125xi32, #tpu.memory_space<vmem>>
    %dma_start3A_13 = arith.constant 0 : i32
    %dma_start3A_14 = arith.constant 0 : i32
    %dma_start3A_15 = tpu.memref_slice %arg2[%dma_start3A_13, %dma_start3A_14] : memref<10240x64xf32, #tpu.memory_space<hbm>> -> memref<10240x64xf32, #tpu.memory_space<hbm>>
    tpu.enqueue_indirect_dma source(%dma_start3A_15 : memref<10240x64xf32, #tpu.memory_space<hbm>>) target(%arg10 : memref<125x64xf32, #tpu.memory_space<vmem>>) offsets(%dma_start3A_12 : memref<125xi32, #tpu.memory_space<vmem>>) semaphore(%arg15 : memref<!tpu.dma_semaphore, #tpu.memory_space<semaphore_mem>>)
    %dma_start3A_16 = arith.constant 2 : i32
    %dma_start3A_17 = arith.constant 0 : i32
    %dma_start3A_18 = tpu.memref_slice %arg7[%dma_start3A_16, %dma_start3A_17] : memref<80x125xi32, #tpu.memory_space<vmem>> -> memref<1x125xi32, #tpu.memory_space<vmem>>
    %dma_start3A_19 = tpu.memref_squeeze %dma_start3A_18 : memref<1x125xi32, #tpu.memory_space<vmem>> -> memref<125xi32, #tpu.memory_space<vmem>>
    %dma_start3A_20 = arith.constant 0 : i32
    %dma_start3A_21 = arith.constant 0 : i32
    %dma_start3A_22 = tpu.memref_slice %arg2[%dma_start3A_20, %dma_start3A_21] : memref<10240x64xf32, #tpu.memory_space<hbm>> -> memref<10240x64xf32, #tpu.memory_space<hbm>>
    tpu.enqueue_indirect_dma source(%dma_start3A_22 : memref<10240x64xf32, #tpu.memory_space<hbm>>) target(%arg11 : memref<125x64xf32, #tpu.memory_space<vmem>>) offsets(%dma_start3A_19 : memref<125xi32, #tpu.memory_space<vmem>>) semaphore(%arg16 : memref<!tpu.dma_semaphore, #tpu.memory_space<semaphore_mem>>)
    %dma_start3A_23 = arith.constant 3 : i32
    %dma_start3A_24 = arith.constant 0 : i32
    %dma_start3A_25 = tpu.memref_slice %arg7[%dma_start3A_23, %dma_start3A_24] : memref<80x125xi32, #tpu.memory_space<vmem>> -> memref<1x125xi32, #tpu.memory_space<vmem>>
    %dma_start3A_26 = tpu.memref_squeeze %dma_start3A_25 : memref<1x125xi32, #tpu.memory_space<vmem>> -> memref<125xi32, #tpu.memory_space<vmem>>
    %dma_start3A_27 = arith.constant 0 : i32
    %dma_start3A_28 = arith.constant 0 : i32
    %dma_start3A_29 = tpu.memref_slice %arg2[%dma_start3A_27, %dma_start3A_28] : memref<10240x64xf32, #tpu.memory_space<hbm>> -> memref<10240x64xf32, #tpu.memory_space<hbm>>
    tpu.enqueue_indirect_dma source(%dma_start3A_29 : memref<10240x64xf32, #tpu.memory_space<hbm>>) target(%arg12 : memref<125x64xf32, #tpu.memory_space<vmem>>) offsets(%dma_start3A_26 : memref<125xi32, #tpu.memory_space<vmem>>) semaphore(%arg17 : memref<!tpu.dma_semaphore, #tpu.memory_space<semaphore_mem>>)
    %scan3A = arith.constant 0 : i32
    %scan3A_30 = arith.constant 19 : i32
    %scan3A_31 = arith.addi %scan3A, %scan3A_30 : i32
    %scan3A_32 = arith.constant 1 : i32
    scf.for %scan3A_64 = %scan3A to %scan3A_31 step %scan3A_32  : i32 {
      %mul3A_65 = arith.constant 4 : i32
      %mul3A_66 = arith.muli %scan3A_64, %mul3A_65 : i32
      %add3A_67 = arith.constant 0 : i32
      %add3A_68 = arith.addi %add3A_67, %mul3A_66 : i32
      %dma_wait3A_69 = arith.constant 0 : i32
      %dma_wait3A_70 = arith.constant 0 : i32
      %dma_wait3A_71 = tpu.memref_slice %arg2[%dma_wait3A_69, %dma_wait3A_70] : memref<10240x64xf32, #tpu.memory_space<hbm>> -> memref<125x64xf32, #tpu.memory_space<hbm>>
      %dma_wait3A_72 = arith.constant 0 : i32
      %dma_wait3A_73 = arith.constant 0 : i32
      %dma_wait3A_74 = tpu.memref_slice %arg2[%dma_wait3A_72, %dma_wait3A_73] : memref<10240x64xf32, #tpu.memory_space<hbm>> -> memref<125x64xf32, #tpu.memory_space<hbm>>
      tpu.wait_dma2 semaphore(%arg14 : memref<!tpu.dma_semaphore, #tpu.memory_space<semaphore_mem>>) src(%dma_wait3A_74 : memref<125x64xf32, #tpu.memory_space<hbm>>) dst(%arg9 : memref<125x64xf32, #tpu.memory_space<vmem>>)
      %add3A_75 = arith.constant 0 : i32
      %add3A_76 = arith.addi %add3A_68, %add3A_75 : i32
      "tpu.region"() ({
        %run_scoped3A_141 = tpu.sem_alloc : memref<!tpu.dma_semaphore, #tpu.memory_space<semaphore_mem>>
        %dma_start3A_142 = arith.constant 0 : i32
        %dma_start3A_143 = tpu.memref_slice %arg8[%add3A_76, %dma_start3A_142] : memref<80x125xi32, #tpu.memory_space<vmem>> -> memref<1x125xi32, #tpu.memory_space<vmem>>
        %dma_start3A_144 = tpu.memref_squeeze %dma_start3A_143 : memref<1x125xi32, #tpu.memory_space<vmem>> -> memref<125xi32, #tpu.memory_space<vmem>>
        %dma_start3A_145 = arith.constant 0 : i32
        %dma_start3A_146 = arith.constant 0 : i32
        %dma_start3A_147 = tpu.memref_slice %arg13[%dma_start3A_145, %dma_start3A_146] : memref<10240x64xf32, #tpu.memory_space<vmem_shared>> -> memref<10240x64xf32, #tpu.memory_space<vmem_shared>>
        tpu.enqueue_indirect_dma source(%arg9 : memref<125x64xf32, #tpu.memory_space<vmem>>) target(%dma_start3A_147 : memref<10240x64xf32, #tpu.memory_space<vmem_shared>>) offsets(%dma_start3A_144 : memref<125xi32, #tpu.memory_space<vmem>>) semaphore(%run_scoped3A_141 : memref<!tpu.dma_semaphore, #tpu.memory_space<semaphore_mem>>) {add = true}
        %dma_wait3A_148 = arith.constant 0 : i32
        %dma_wait3A_149 = tpu.memref_slice %arg8[%add3A_76, %dma_wait3A_148] : memref<80x125xi32, #tpu.memory_space<vmem>> -> memref<1x125xi32, #tpu.memory_space<vmem>>
        %dma_wait3A_150 = tpu.memref_squeeze %dma_wait3A_149 : memref<1x125xi32, #tpu.memory_space<vmem>> -> memref<125xi32, #tpu.memory_space<vmem>>
        %dma_wait3A_151 = arith.constant 0 : i32
        %dma_wait3A_152 = arith.constant 0 : i32
        %dma_wait3A_153 = tpu.memref_slice %arg13[%dma_wait3A_151, %dma_wait3A_152] : memref<10240x64xf32, #tpu.memory_space<vmem_shared>> -> memref<10240x64xf32, #tpu.memory_space<vmem_shared>>
        tpu.wait_indirect_dma semaphore(%run_scoped3A_141 : memref<!tpu.dma_semaphore, #tpu.memory_space<semaphore_mem>>) src(%arg9 : memref<125x64xf32, #tpu.memory_space<vmem>>) dst(%dma_wait3A_153 : memref<10240x64xf32, #tpu.memory_space<vmem_shared>>)
        tpu.yield
      }) : () -> ()
      %add3A_77 = arith.constant 4 : i32
      %add3A_78 = arith.addi %add3A_68, %add3A_77 : i32
      %add3A_79 = arith.constant 0 : i32
      %add3A_80 = arith.addi %add3A_78, %add3A_79 : i32
      %dma_start3A_81 = arith.constant 0 : i32
      %dma_start3A_82 = tpu.memref_slice %arg7[%add3A_80, %dma_start3A_81] : memref<80x125xi32, #tpu.memory_space<vmem>> -> memref<1x125xi32, #tpu.memory_space<vmem>>
      %dma_start3A_83 = tpu.memref_squeeze %dma_start3A_82 : memref<1x125xi32, #tpu.memory_space<vmem>> -> memref<125xi32, #tpu.memory_space<vmem>>
      %dma_start3A_84 = arith.constant 0 : i32
      %dma_start3A_85 = arith.constant 0 : i32
      %dma_start3A_86 = tpu.memref_slice %arg2[%dma_start3A_84, %dma_start3A_85] : memref<10240x64xf32, #tpu.memory_space<hbm>> -> memref<10240x64xf32, #tpu.memory_space<hbm>>
      tpu.enqueue_indirect_dma source(%dma_start3A_86 : memref<10240x64xf32, #tpu.memory_space<hbm>>) target(%arg9 : memref<125x64xf32, #tpu.memory_space<vmem>>) offsets(%dma_start3A_83 : memref<125xi32, #tpu.memory_space<vmem>>) semaphore(%arg14 : memref<!tpu.dma_semaphore, #tpu.memory_space<semaphore_mem>>)
      %dma_wait3A_87 = arith.constant 0 : i32
      %dma_wait3A_88 = arith.constant 0 : i32
      %dma_wait3A_89 = tpu.memref_slice %arg2[%dma_wait3A_87, %dma_wait3A_88] : memref<10240x64xf32, #tpu.memory_space<hbm>> -> memref<125x64xf32, #tpu.memory_space<hbm>>
      %dma_wait3A_90 = arith.constant 0 : i32
      %dma_wait3A_91 = arith.constant 0 : i32
      %dma_wait3A_92 = tpu.memref_slice %arg2[%dma_wait3A_90, %dma_wait3A_91] : memref<10240x64xf32, #tpu.memory_space<hbm>> -> memref<125x64xf32, #tpu.memory_space<hbm>>
      tpu.wait_dma2 semaphore(%arg15 : memref<!tpu.dma_semaphore, #tpu.memory_space<semaphore_mem>>) src(%dma_wait3A_92 : memref<125x64xf32, #tpu.memory_space<hbm>>) dst(%arg10 : memref<125x64xf32, #tpu.memory_space<vmem>>)
      %add3A_93 = arith.constant 1 : i32
      %add3A_94 = arith.addi %add3A_68, %add3A_93 : i32
      "tpu.region"() ({
        %run_scoped3A_141 = tpu.sem_alloc : memref<!tpu.dma_semaphore, #tpu.memory_space<semaphore_mem>>
        %dma_start3A_142 = arith.constant 0 : i32
        %dma_start3A_143 = tpu.memref_slice %arg8[%add3A_94, %dma_start3A_142] : memref<80x125xi32, #tpu.memory_space<vmem>> -> memref<1x125xi32, #tpu.memory_space<vmem>>
        %dma_start3A_144 = tpu.memref_squeeze %dma_start3A_143 : memref<1x125xi32, #tpu.memory_space<vmem>> -> memref<125xi32, #tpu.memory_space<vmem>>
        %dma_start3A_145 = arith.constant 0 : i32
        %dma_start3A_146 = arith.constant 0 : i32
        %dma_start3A_147 = tpu.memref_slice %arg13[%dma_start3A_145, %dma_start3A_146] : memref<10240x64xf32, #tpu.memory_space<vmem_shared>> -> memref<10240x64xf32, #tpu.memory_space<vmem_shared>>
        tpu.enqueue_indirect_dma source(%arg10 : memref<125x64xf32, #tpu.memory_space<vmem>>) target(%dma_start3A_147 : memref<10240x64xf32, #tpu.memory_space<vmem_shared>>) offsets(%dma_start3A_144 : memref<125xi32, #tpu.memory_space<vmem>>) semaphore(%run_scoped3A_141 : memref<!tpu.dma_semaphore, #tpu.memory_space<semaphore_mem>>) {add = true}
        %dma_wait3A_148 = arith.constant 0 : i32
        %dma_wait3A_149 = tpu.memref_slice %arg8[%add3A_94, %dma_wait3A_148] : memref<80x125xi32, #tpu.memory_space<vmem>> -> memref<1x125xi32, #tpu.memory_space<vmem>>
        %dma_wait3A_150 = tpu.memref_squeeze %dma_wait3A_149 : memref<1x125xi32, #tpu.memory_space<vmem>> -> memref<125xi32, #tpu.memory_space<vmem>>
        %dma_wait3A_151 = arith.constant 0 : i32
        %dma_wait3A_152 = arith.constant 0 : i32
        %dma_wait3A_153 = tpu.memref_slice %arg13[%dma_wait3A_151, %dma_wait3A_152] : memref<10240x64xf32, #tpu.memory_space<vmem_shared>> -> memref<10240x64xf32, #tpu.memory_space<vmem_shared>>
        tpu.wait_indirect_dma semaphore(%run_scoped3A_141 : memref<!tpu.dma_semaphore, #tpu.memory_space<semaphore_mem>>) src(%arg10 : memref<125x64xf32, #tpu.memory_space<vmem>>) dst(%dma_wait3A_153 : memref<10240x64xf32, #tpu.memory_space<vmem_shared>>)
        tpu.yield
      }) : () -> ()
      %add3A_95 = arith.constant 4 : i32
      %add3A_96 = arith.addi %add3A_68, %add3A_95 : i32
      %add3A_97 = arith.constant 1 : i32
      %add3A_98 = arith.addi %add3A_96, %add3A_97 : i32
      %dma_start3A_99 = arith.constant 0 : i32
      %dma_start3A_100 = tpu.memref_slice %arg7[%add3A_98, %dma_start3A_99] : memref<80x125xi32, #tpu.memory_space<vmem>> -> memref<1x125xi32, #tpu.memory_space<vmem>>
      %dma_start3A_101 = tpu.memref_squeeze %dma_start3A_100 : memref<1x125xi32, #tpu.memory_space<vmem>> -> memref<125xi32, #tpu.memory_space<vmem>>
      %dma_start3A_102 = arith.constant 0 : i32
      %dma_start3A_103 = arith.constant 0 : i32
      %dma_start3A_104 = tpu.memref_slice %arg2[%dma_start3A_102, %dma_start3A_103] : memref<10240x64xf32, #tpu.memory_space<hbm>> -> memref<10240x64xf32, #tpu.memory_space<hbm>>
      tpu.enqueue_indirect_dma source(%dma_start3A_104 : memref<10240x64xf32, #tpu.memory_space<hbm>>) target(%arg10 : memref<125x64xf32, #tpu.memory_space<vmem>>) offsets(%dma_start3A_101 : memref<125xi32, #tpu.memory_space<vmem>>) semaphore(%arg15 : memref<!tpu.dma_semaphore, #tpu.memory_space<semaphore_mem>>)
      %dma_wait3A_105 = arith.constant 0 : i32
      %dma_wait3A_106 = arith.constant 0 : i32
      %dma_wait3A_107 = tpu.memref_slice %arg2[%dma_wait3A_105, %dma_wait3A_106] : memref<10240x64xf32, #tpu.memory_space<hbm>> -> memref<125x64xf32, #tpu.memory_space<hbm>>
      %dma_wait3A_108 = arith.constant 0 : i32
      %dma_wait3A_109 = arith.constant 0 : i32
      %dma_wait3A_110 = tpu.memref_slice %arg2[%dma_wait3A_108, %dma_wait3A_109] : memref<10240x64xf32, #tpu.memory_space<hbm>> -> memref<125x64xf32, #tpu.memory_space<hbm>>
      tpu.wait_dma2 semaphore(%arg16 : memref<!tpu.dma_semaphore, #tpu.memory_space<semaphore_mem>>) src(%dma_wait3A_110 : memref<125x64xf32, #tpu.memory_space<hbm>>) dst(%arg11 : memref<125x64xf32, #tpu.memory_space<vmem>>)
      %add3A_111 = arith.constant 2 : i32
      %add3A_112 = arith.addi %add3A_68, %add3A_111 : i32
      "tpu.region"() ({
        %run_scoped3A_141 = tpu.sem_alloc : memref<!tpu.dma_semaphore, #tpu.memory_space<semaphore_mem>>
        %dma_start3A_142 = arith.constant 0 : i32
        %dma_start3A_143 = tpu.memref_slice %arg8[%add3A_112, %dma_start3A_142] : memref<80x125xi32, #tpu.memory_space<vmem>> -> memref<1x125xi32, #tpu.memory_space<vmem>>
        %dma_start3A_144 = tpu.memref_squeeze %dma_start3A_143 : memref<1x125xi32, #tpu.memory_space<vmem>> -> memref<125xi32, #tpu.memory_space<vmem>>
        %dma_start3A_145 = arith.constant 0 : i32
        %dma_start3A_146 = arith.constant 0 : i32
        %dma_start3A_147 = tpu.memref_slice %arg13[%dma_start3A_145, %dma_start3A_146] : memref<10240x64xf32, #tpu.memory_space<vmem_shared>> -> memref<10240x64xf32, #tpu.memory_space<vmem_shared>>
        tpu.enqueue_indirect_dma source(%arg11 : memref<125x64xf32, #tpu.memory_space<vmem>>) target(%dma_start3A_147 : memref<10240x64xf32, #tpu.memory_space<vmem_shared>>) offsets(%dma_start3A_144 : memref<125xi32, #tpu.memory_space<vmem>>) semaphore(%run_scoped3A_141 : memref<!tpu.dma_semaphore, #tpu.memory_space<semaphore_mem>>) {add = true}
        %dma_wait3A_148 = arith.constant 0 : i32
        %dma_wait3A_149 = tpu.memref_slice %arg8[%add3A_112, %dma_wait3A_148] : memref<80x125xi32, #tpu.memory_space<vmem>> -> memref<1x125xi32, #tpu.memory_space<vmem>>
        %dma_wait3A_150 = tpu.memref_squeeze %dma_wait3A_149 : memref<1x125xi32, #tpu.memory_space<vmem>> -> memref<125xi32, #tpu.memory_space<vmem>>
        %dma_wait3A_151 = arith.constant 0 : i32
        %dma_wait3A_152 = arith.constant 0 : i32
        %dma_wait3A_153 = tpu.memref_slice %arg13[%dma_wait3A_151, %dma_wait3A_152] : memref<10240x64xf32, #tpu.memory_space<vmem_shared>> -> memref<10240x64xf32, #tpu.memory_space<vmem_shared>>
        tpu.wait_indirect_dma semaphore(%run_scoped3A_141 : memref<!tpu.dma_semaphore, #tpu.memory_space<semaphore_mem>>) src(%arg11 : memref<125x64xf32, #tpu.memory_space<vmem>>) dst(%dma_wait3A_153 : memref<10240x64xf32, #tpu.memory_space<vmem_shared>>)
        tpu.yield
      }) : () -> ()
      %add3A_113 = arith.constant 4 : i32
      %add3A_114 = arith.addi %add3A_68, %add3A_113 : i32
      %add3A_115 = arith.constant 2 : i32
      %add3A_116 = arith.addi %add3A_114, %add3A_115 : i32
      %dma_start3A_117 = arith.constant 0 : i32
      %dma_start3A_118 = tpu.memref_slice %arg7[%add3A_116, %dma_start3A_117] : memref<80x125xi32, #tpu.memory_space<vmem>> -> memref<1x125xi32, #tpu.memory_space<vmem>>
      %dma_start3A_119 = tpu.memref_squeeze %dma_start3A_118 : memref<1x125xi32, #tpu.memory_space<vmem>> -> memref<125xi32, #tpu.memory_space<vmem>>
      %dma_start3A_120 = arith.constant 0 : i32
      %dma_start3A_121 = arith.constant 0 : i32
      %dma_start3A_122 = tpu.memref_slice %arg2[%dma_start3A_120, %dma_start3A_121] : memref<10240x64xf32, #tpu.memory_space<hbm>> -> memref<10240x64xf32, #tpu.memory_space<hbm>>
      tpu.enqueue_indirect_dma source(%dma_start3A_122 : memref<10240x64xf32, #tpu.memory_space<hbm>>) target(%arg11 : memref<125x64xf32, #tpu.memory_space<vmem>>) offsets(%dma_start3A_119 : memref<125xi32, #tpu.memory_space<vmem>>) semaphore(%arg16 : memref<!tpu.dma_semaphore, #tpu.memory_space<semaphore_mem>>)
      %dma_wait3A_123 = arith.constant 0 : i32
      %dma_wait3A_124 = arith.constant 0 : i32
      %dma_wait3A_125 = tpu.memref_slice %arg2[%dma_wait3A_123, %dma_wait3A_124] : memref<10240x64xf32, #tpu.memory_space<hbm>> -> memref<125x64xf32, #tpu.memory_space<hbm>>
      %dma_wait3A_126 = arith.constant 0 : i32
      %dma_wait3A_127 = arith.constant 0 : i32
      %dma_wait3A_128 = tpu.memref_slice %arg2[%dma_wait3A_126, %dma_wait3A_127] : memref<10240x64xf32, #tpu.memory_space<hbm>> -> memref<125x64xf32, #tpu.memory_space<hbm>>
      tpu.wait_dma2 semaphore(%arg17 : memref<!tpu.dma_semaphore, #tpu.memory_space<semaphore_mem>>) src(%dma_wait3A_128 : memref<125x64xf32, #tpu.memory_space<hbm>>) dst(%arg12 : memref<125x64xf32, #tpu.memory_space<vmem>>)
      %add3A_129 = arith.constant 3 : i32
      %add3A_130 = arith.addi %add3A_68, %add3A_129 : i32
      "tpu.region"() ({
        %run_scoped3A_141 = tpu.sem_alloc : memref<!tpu.dma_semaphore, #tpu.memory_space<semaphore_mem>>
        %dma_start3A_142 = arith.constant 0 : i32
        %dma_start3A_143 = tpu.memref_slice %arg8[%add3A_130, %dma_start3A_142] : memref<80x125xi32, #tpu.memory_space<vmem>> -> memref<1x125xi32, #tpu.memory_space<vmem>>
        %dma_start3A_144 = tpu.memref_squeeze %dma_start3A_143 : memref<1x125xi32, #tpu.memory_space<vmem>> -> memref<125xi32, #tpu.memory_space<vmem>>
        %dma_start3A_145 = arith.constant 0 : i32
        %dma_start3A_146 = arith.constant 0 : i32
        %dma_start3A_147 = tpu.memref_slice %arg13[%dma_start3A_145, %dma_start3A_146] : memref<10240x64xf32, #tpu.memory_space<vmem_shared>> -> memref<10240x64xf32, #tpu.memory_space<vmem_shared>>
        tpu.enqueue_indirect_dma source(%arg12 : memref<125x64xf32, #tpu.memory_space<vmem>>) target(%dma_start3A_147 : memref<10240x64xf32, #tpu.memory_space<vmem_shared>>) offsets(%dma_start3A_144 : memref<125xi32, #tpu.memory_space<vmem>>) semaphore(%run_scoped3A_141 : memref<!tpu.dma_semaphore, #tpu.memory_space<semaphore_mem>>) {add = true}
        %dma_wait3A_148 = arith.constant 0 : i32
        %dma_wait3A_149 = tpu.memref_slice %arg8[%add3A_130, %dma_wait3A_148] : memref<80x125xi32, #tpu.memory_space<vmem>> -> memref<1x125xi32, #tpu.memory_space<vmem>>
        %dma_wait3A_150 = tpu.memref_squeeze %dma_wait3A_149 : memref<1x125xi32, #tpu.memory_space<vmem>> -> memref<125xi32, #tpu.memory_space<vmem>>
        %dma_wait3A_151 = arith.constant 0 : i32
        %dma_wait3A_152 = arith.constant 0 : i32
        %dma_wait3A_153 = tpu.memref_slice %arg13[%dma_wait3A_151, %dma_wait3A_152] : memref<10240x64xf32, #tpu.memory_space<vmem_shared>> -> memref<10240x64xf32, #tpu.memory_space<vmem_shared>>
        tpu.wait_indirect_dma semaphore(%run_scoped3A_141 : memref<!tpu.dma_semaphore, #tpu.memory_space<semaphore_mem>>) src(%arg12 : memref<125x64xf32, #tpu.memory_space<vmem>>) dst(%dma_wait3A_153 : memref<10240x64xf32, #tpu.memory_space<vmem_shared>>)
        tpu.yield
      }) : () -> ()
      %add3A_131 = arith.constant 4 : i32
      %add3A_132 = arith.addi %add3A_68, %add3A_131 : i32
      %add3A_133 = arith.constant 3 : i32
      %add3A_134 = arith.addi %add3A_132, %add3A_133 : i32
      %dma_start3A_135 = arith.constant 0 : i32
      %dma_start3A_136 = tpu.memref_slice %arg7[%add3A_134, %dma_start3A_135] : memref<80x125xi32, #tpu.memory_space<vmem>> -> memref<1x125xi32, #tpu.memory_space<vmem>>
      %dma_start3A_137 = tpu.memref_squeeze %dma_start3A_136 : memref<1x125xi32, #tpu.memory_space<vmem>> -> memref<125xi32, #tpu.memory_space<vmem>>
      %dma_start3A_138 = arith.constant 0 : i32
      %dma_start3A_139 = arith.constant 0 : i32
      %dma_start3A_140 = tpu.memref_slice %arg2[%dma_start3A_138, %dma_start3A_139] : memref<10240x64xf32, #tpu.memory_space<hbm>> -> memref<10240x64xf32, #tpu.memory_space<hbm>>
      tpu.enqueue_indirect_dma source(%dma_start3A_140 : memref<10240x64xf32, #tpu.memory_space<hbm>>) target(%arg12 : memref<125x64xf32, #tpu.memory_space<vmem>>) offsets(%dma_start3A_137 : memref<125xi32, #tpu.memory_space<vmem>>) semaphore(%arg17 : memref<!tpu.dma_semaphore, #tpu.memory_space<semaphore_mem>>)
    }
    %scan3A_33 = arith.constant 19 : i32
    %dma_wait3A = arith.constant 0 : i32
    %dma_wait3A_34 = arith.constant 0 : i32
    %dma_wait3A_35 = tpu.memref_slice %arg2[%dma_wait3A, %dma_wait3A_34] : memref<10240x64xf32, #tpu.memory_space<hbm>> -> memref<125x64xf32, #tpu.memory_space<hbm>>
    %dma_wait3A_36 = arith.constant 0 : i32
    %dma_wait3A_37 = arith.constant 0 : i32
    %dma_wait3A_38 = tpu.memref_slice %arg2[%dma_wait3A_36, %dma_wait3A_37] : memref<10240x64xf32, #tpu.memory_space<hbm>> -> memref<125x64xf32, #tpu.memory_space<hbm>>
    tpu.wait_dma2 semaphore(%arg14 : memref<!tpu.dma_semaphore, #tpu.memory_space<semaphore_mem>>) src(%dma_wait3A_38 : memref<125x64xf32, #tpu.memory_space<hbm>>) dst(%arg9 : memref<125x64xf32, #tpu.memory_space<vmem>>)
    %run_scoped3A = arith.constant 76 : i32
    "tpu.region"() ({
      %run_scoped3A_64 = tpu.sem_alloc : memref<!tpu.dma_semaphore, #tpu.memory_space<semaphore_mem>>
      %dma_start3A_65 = arith.constant 0 : i32
      %dma_start3A_66 = tpu.memref_slice %arg8[%run_scoped3A, %dma_start3A_65] : memref<80x125xi32, #tpu.memory_space<vmem>> -> memref<1x125xi32, #tpu.memory_space<vmem>>
      %dma_start3A_67 = tpu.memref_squeeze %dma_start3A_66 : memref<1x125xi32, #tpu.memory_space<vmem>> -> memref<125xi32, #tpu.memory_space<vmem>>
      %dma_start3A_68 = arith.constant 0 : i32
      %dma_start3A_69 = arith.constant 0 : i32
      %dma_start3A_70 = tpu.memref_slice %arg13[%dma_start3A_68, %dma_start3A_69] : memref<10240x64xf32, #tpu.memory_space<vmem_shared>> -> memref<10240x64xf32, #tpu.memory_space<vmem_shared>>
      tpu.enqueue_indirect_dma source(%arg9 : memref<125x64xf32, #tpu.memory_space<vmem>>) target(%dma_start3A_70 : memref<10240x64xf32, #tpu.memory_space<vmem_shared>>) offsets(%dma_start3A_67 : memref<125xi32, #tpu.memory_space<vmem>>) semaphore(%run_scoped3A_64 : memref<!tpu.dma_semaphore, #tpu.memory_space<semaphore_mem>>) {add = true}
      %dma_wait3A_71 = arith.constant 0 : i32
      %dma_wait3A_72 = tpu.memref_slice %arg8[%run_scoped3A, %dma_wait3A_71] : memref<80x125xi32, #tpu.memory_space<vmem>> -> memref<1x125xi32, #tpu.memory_space<vmem>>
      %dma_wait3A_73 = tpu.memref_squeeze %dma_wait3A_72 : memref<1x125xi32, #tpu.memory_space<vmem>> -> memref<125xi32, #tpu.memory_space<vmem>>
      %dma_wait3A_74 = arith.constant 0 : i32
      %dma_wait3A_75 = arith.constant 0 : i32
      %dma_wait3A_76 = tpu.memref_slice %arg13[%dma_wait3A_74, %dma_wait3A_75] : memref<10240x64xf32, #tpu.memory_space<vmem_shared>> -> memref<10240x64xf32, #tpu.memory_space<vmem_shared>>
      tpu.wait_indirect_dma semaphore(%run_scoped3A_64 : memref<!tpu.dma_semaphore, #tpu.memory_space<semaphore_mem>>) src(%arg9 : memref<125x64xf32, #tpu.memory_space<vmem>>) dst(%dma_wait3A_76 : memref<10240x64xf32, #tpu.memory_space<vmem_shared>>)
      tpu.yield
    }) : () -> ()
    %dma_wait3A_39 = arith.constant 0 : i32
    %dma_wait3A_40 = arith.constant 0 : i32
    %dma_wait3A_41 = tpu.memref_slice %arg2[%dma_wait3A_39, %dma_wait3A_40] : memref<10240x64xf32, #tpu.memory_space<hbm>> -> memref<125x64xf32, #tpu.memory_space<hbm>>
    %dma_wait3A_42 = arith.constant 0 : i32
    %dma_wait3A_43 = arith.constant 0 : i32
    %dma_wait3A_44 = tpu.memref_slice %arg2[%dma_wait3A_42, %dma_wait3A_43] : memref<10240x64xf32, #tpu.memory_space<hbm>> -> memref<125x64xf32, #tpu.memory_space<hbm>>
    tpu.wait_dma2 semaphore(%arg15 : memref<!tpu.dma_semaphore, #tpu.memory_space<semaphore_mem>>) src(%dma_wait3A_44 : memref<125x64xf32, #tpu.memory_space<hbm>>) dst(%arg10 : memref<125x64xf32, #tpu.memory_space<vmem>>)
    %run_scoped3A_45 = arith.constant 77 : i32
    "tpu.region"() ({
      %run_scoped3A_64 = tpu.sem_alloc : memref<!tpu.dma_semaphore, #tpu.memory_space<semaphore_mem>>
      %dma_start3A_65 = arith.constant 0 : i32
      %dma_start3A_66 = tpu.memref_slice %arg8[%run_scoped3A_45, %dma_start3A_65] : memref<80x125xi32, #tpu.memory_space<vmem>> -> memref<1x125xi32, #tpu.memory_space<vmem>>
      %dma_start3A_67 = tpu.memref_squeeze %dma_start3A_66 : memref<1x125xi32, #tpu.memory_space<vmem>> -> memref<125xi32, #tpu.memory_space<vmem>>
      %dma_start3A_68 = arith.constant 0 : i32
      %dma_start3A_69 = arith.constant 0 : i32
      %dma_start3A_70 = tpu.memref_slice %arg13[%dma_start3A_68, %dma_start3A_69] : memref<10240x64xf32, #tpu.memory_space<vmem_shared>> -> memref<10240x64xf32, #tpu.memory_space<vmem_shared>>
      tpu.enqueue_indirect_dma source(%arg10 : memref<125x64xf32, #tpu.memory_space<vmem>>) target(%dma_start3A_70 : memref<10240x64xf32, #tpu.memory_space<vmem_shared>>) offsets(%dma_start3A_67 : memref<125xi32, #tpu.memory_space<vmem>>) semaphore(%run_scoped3A_64 : memref<!tpu.dma_semaphore, #tpu.memory_space<semaphore_mem>>) {add = true}
      %dma_wait3A_71 = arith.constant 0 : i32
      %dma_wait3A_72 = tpu.memref_slice %arg8[%run_scoped3A_45, %dma_wait3A_71] : memref<80x125xi32, #tpu.memory_space<vmem>> -> memref<1x125xi32, #tpu.memory_space<vmem>>
      %dma_wait3A_73 = tpu.memref_squeeze %dma_wait3A_72 : memref<1x125xi32, #tpu.memory_space<vmem>> -> memref<125xi32, #tpu.memory_space<vmem>>
      %dma_wait3A_74 = arith.constant 0 : i32
      %dma_wait3A_75 = arith.constant 0 : i32
      %dma_wait3A_76 = tpu.memref_slice %arg13[%dma_wait3A_74, %dma_wait3A_75] : memref<10240x64xf32, #tpu.memory_space<vmem_shared>> -> memref<10240x64xf32, #tpu.memory_space<vmem_shared>>
      tpu.wait_indirect_dma semaphore(%run_scoped3A_64 : memref<!tpu.dma_semaphore, #tpu.memory_space<semaphore_mem>>) src(%arg10 : memref<125x64xf32, #tpu.memory_space<vmem>>) dst(%dma_wait3A_76 : memref<10240x64xf32, #tpu.memory_space<vmem_shared>>)
      tpu.yield
    }) : () -> ()
    %dma_wait3A_46 = arith.constant 0 : i32
    %dma_wait3A_47 = arith.constant 0 : i32
    %dma_wait3A_48 = tpu.memref_slice %arg2[%dma_wait3A_46, %dma_wait3A_47] : memref<10240x64xf32, #tpu.memory_space<hbm>> -> memref<125x64xf32, #tpu.memory_space<hbm>>
    %dma_wait3A_49 = arith.constant 0 : i32
    %dma_wait3A_50 = arith.constant 0 : i32
    %dma_wait3A_51 = tpu.memref_slice %arg2[%dma_wait3A_49, %dma_wait3A_50] : memref<10240x64xf32, #tpu.memory_space<hbm>> -> memref<125x64xf32, #tpu.memory_space<hbm>>
    tpu.wait_dma2 semaphore(%arg16 : memref<!tpu.dma_semaphore, #tpu.memory_space<semaphore_mem>>) src(%dma_wait3A_51 : memref<125x64xf32, #tpu.memory_space<hbm>>) dst(%arg11 : memref<125x64xf32, #tpu.memory_space<vmem>>)
    %run_scoped3A_52 = arith.constant 78 : i32
    "tpu.region"() ({
      %run_scoped3A_64 = tpu.sem_alloc : memref<!tpu.dma_semaphore, #tpu.memory_space<semaphore_mem>>
      %dma_start3A_65 = arith.constant 0 : i32
      %dma_start3A_66 = tpu.memref_slice %arg8[%run_scoped3A_52, %dma_start3A_65] : memref<80x125xi32, #tpu.memory_space<vmem>> -> memref<1x125xi32, #tpu.memory_space<vmem>>
      %dma_start3A_67 = tpu.memref_squeeze %dma_start3A_66 : memref<1x125xi32, #tpu.memory_space<vmem>> -> memref<125xi32, #tpu.memory_space<vmem>>
      %dma_start3A_68 = arith.constant 0 : i32
      %dma_start3A_69 = arith.constant 0 : i32
      %dma_start3A_70 = tpu.memref_slice %arg13[%dma_start3A_68, %dma_start3A_69] : memref<10240x64xf32, #tpu.memory_space<vmem_shared>> -> memref<10240x64xf32, #tpu.memory_space<vmem_shared>>
      tpu.enqueue_indirect_dma source(%arg11 : memref<125x64xf32, #tpu.memory_space<vmem>>) target(%dma_start3A_70 : memref<10240x64xf32, #tpu.memory_space<vmem_shared>>) offsets(%dma_start3A_67 : memref<125xi32, #tpu.memory_space<vmem>>) semaphore(%run_scoped3A_64 : memref<!tpu.dma_semaphore, #tpu.memory_space<semaphore_mem>>) {add = true}
      %dma_wait3A_71 = arith.constant 0 : i32
      %dma_wait3A_72 = tpu.memref_slice %arg8[%run_scoped3A_52, %dma_wait3A_71] : memref<80x125xi32, #tpu.memory_space<vmem>> -> memref<1x125xi32, #tpu.memory_space<vmem>>
      %dma_wait3A_73 = tpu.memref_squeeze %dma_wait3A_72 : memref<1x125xi32, #tpu.memory_space<vmem>> -> memref<125xi32, #tpu.memory_space<vmem>>
      %dma_wait3A_74 = arith.constant 0 : i32
      %dma_wait3A_75 = arith.constant 0 : i32
      %dma_wait3A_76 = tpu.memref_slice %arg13[%dma_wait3A_74, %dma_wait3A_75] : memref<10240x64xf32, #tpu.memory_space<vmem_shared>> -> memref<10240x64xf32, #tpu.memory_space<vmem_shared>>
      tpu.wait_indirect_dma semaphore(%run_scoped3A_64 : memref<!tpu.dma_semaphore, #tpu.memory_space<semaphore_mem>>) src(%arg11 : memref<125x64xf32, #tpu.memory_space<vmem>>) dst(%dma_wait3A_76 : memref<10240x64xf32, #tpu.memory_space<vmem_shared>>)
      tpu.yield
    }) : () -> ()
    %dma_wait3A_53 = arith.constant 0 : i32
    %dma_wait3A_54 = arith.constant 0 : i32
    %dma_wait3A_55 = tpu.memref_slice %arg2[%dma_wait3A_53, %dma_wait3A_54] : memref<10240x64xf32, #tpu.memory_space<hbm>> -> memref<125x64xf32, #tpu.memory_space<hbm>>
    %dma_wait3A_56 = arith.constant 0 : i32
    %dma_wait3A_57 = arith.constant 0 : i32
    %dma_wait3A_58 = tpu.memref_slice %arg2[%dma_wait3A_56, %dma_wait3A_57] : memref<10240x64xf32, #tpu.memory_space<hbm>> -> memref<125x64xf32, #tpu.memory_space<hbm>>
    tpu.wait_dma2 semaphore(%arg17 : memref<!tpu.dma_semaphore, #tpu.memory_space<semaphore_mem>>) src(%dma_wait3A_58 : memref<125x64xf32, #tpu.memory_space<hbm>>) dst(%arg12 : memref<125x64xf32, #tpu.memory_space<vmem>>)
    %run_scoped3A_59 = arith.constant 79 : i32
    "tpu.region"() ({
      %run_scoped3A_64 = tpu.sem_alloc : memref<!tpu.dma_semaphore, #tpu.memory_space<semaphore_mem>>
      %dma_start3A_65 = arith.constant 0 : i32
      %dma_start3A_66 = tpu.memref_slice %arg8[%run_scoped3A_59, %dma_start3A_65] : memref<80x125xi32, #tpu.memory_space<vmem>> -> memref<1x125xi32, #tpu.memory_space<vmem>>
      %dma_start3A_67 = tpu.memref_squeeze %dma_start3A_66 : memref<1x125xi32, #tpu.memory_space<vmem>> -> memref<125xi32, #tpu.memory_space<vmem>>
      %dma_start3A_68 = arith.constant 0 : i32
      %dma_start3A_69 = arith.constant 0 : i32
      %dma_start3A_70 = tpu.memref_slice %arg13[%dma_start3A_68, %dma_start3A_69] : memref<10240x64xf32, #tpu.memory_space<vmem_shared>> -> memref<10240x64xf32, #tpu.memory_space<vmem_shared>>
      tpu.enqueue_indirect_dma source(%arg12 : memref<125x64xf32, #tpu.memory_space<vmem>>) target(%dma_start3A_70 : memref<10240x64xf32, #tpu.memory_space<vmem_shared>>) offsets(%dma_start3A_67 : memref<125xi32, #tpu.memory_space<vmem>>) semaphore(%run_scoped3A_64 : memref<!tpu.dma_semaphore, #tpu.memory_space<semaphore_mem>>) {add = true}
      %dma_wait3A_71 = arith.constant 0 : i32
      %dma_wait3A_72 = tpu.memref_slice %arg8[%run_scoped3A_59, %dma_wait3A_71] : memref<80x125xi32, #tpu.memory_space<vmem>> -> memref<1x125xi32, #tpu.memory_space<vmem>>
      %dma_wait3A_73 = tpu.memref_squeeze %dma_wait3A_72 : memref<1x125xi32, #tpu.memory_space<vmem>> -> memref<125xi32, #tpu.memory_space<vmem>>
      %dma_wait3A_74 = arith.constant 0 : i32
      %dma_wait3A_75 = arith.constant 0 : i32
      %dma_wait3A_76 = tpu.memref_slice %arg13[%dma_wait3A_74, %dma_wait3A_75] : memref<10240x64xf32, #tpu.memory_space<vmem_shared>> -> memref<10240x64xf32, #tpu.memory_space<vmem_shared>>
      tpu.wait_indirect_dma semaphore(%run_scoped3A_64 : memref<!tpu.dma_semaphore, #tpu.memory_space<semaphore_mem>>) src(%arg12 : memref<125x64xf32, #tpu.memory_space<vmem>>) dst(%dma_wait3A_76 : memref<10240x64xf32, #tpu.memory_space<vmem_shared>>)
      tpu.yield
    }) : () -> ()
    %barrier3A_60 = arith.constant 0 : index
    tpu.barrier barrier_id(%barrier3A_60)
    %mul3A_61 = arith.constant 10240 : i32
    %mul3A_62 = arith.muli %arg0, %mul3A_61 : i32
    %add3A_63 = arith.addi %mul3A_62, %mul3A_2 : i32
    "tpu.region"() ({
      %run_scoped3A_64 = tpu.sem_alloc : memref<!tpu.dma_semaphore, #tpu.memory_space<semaphore_mem>>
      %dma_start3A_65 = arith.constant 0 : i32
      %dma_start3A_66 = tpu.memref_slice %arg6[%add3A_63, %dma_start3A_65] : memref<20480x64xf32, #tpu.memory_space<hbm>> -> memref<640x64xf32, #tpu.memory_space<hbm>>
      %dma_start3A_67 = arith.constant 0 : i32
      %dma_start3A_68 = tpu.memref_slice %arg13[%mul3A_2, %dma_start3A_67] : memref<10240x64xf32, #tpu.memory_space<vmem_shared>> -> memref<640x64xf32, #tpu.memory_space<vmem_shared>>
      tpu.enqueue_dma source(%dma_start3A_68 : memref<640x64xf32, #tpu.memory_space<vmem_shared>>) target(%dma_start3A_66 : memref<640x64xf32, #tpu.memory_space<hbm>>) target_semaphore(%run_scoped3A_64 : memref<!tpu.dma_semaphore, #tpu.memory_space<semaphore_mem>>)
      %dma_wait3A_69 = arith.constant 0 : i32
      %dma_wait3A_70 = tpu.memref_slice %arg6[%add3A_63, %dma_wait3A_69] : memref<20480x64xf32, #tpu.memory_space<hbm>> -> memref<640x64xf32, #tpu.memory_space<hbm>>
      %dma_wait3A_71 = arith.constant 0 : i32
      %dma_wait3A_72 = tpu.memref_slice %arg13[%mul3A_2, %dma_wait3A_71] : memref<10240x64xf32, #tpu.memory_space<vmem_shared>> -> memref<640x64xf32, #tpu.memory_space<vmem_shared>>
      tpu.wait_dma2 semaphore(%run_scoped3A_64 : memref<!tpu.dma_semaphore, #tpu.memory_space<semaphore_mem>>) src(%dma_wait3A_72 : memref<640x64xf32, #tpu.memory_space<vmem_shared>>) dst(%dma_wait3A_70 : memref<640x64xf32, #tpu.memory_space<hbm>>)
      tpu.yield
    }) : () -> ()
    return
  }
}

module attributes {stable_mosaic.version = 14 : i64} {
  func.func @_t0_body(%arg0: memref<10000x128xf32, #tpu.memory_space<vmem>>, %arg1: memref<128x64xf32, #tpu.memory_space<vmem>>, %arg2: memref<2x2500x128xi32, #tpu.memory_space<vmem>>, %arg3: memref<5120x128xf32, #tpu.memory_space<vmem>>, %arg4: memref<2500x128xi32, #tpu.memory_space<vmem>>, %arg5: memref<2500x128xi32, #tpu.memory_space<vmem>>) attributes {dimension_semantics = [], scalar_prefetch = 0 : i64, scratch_operands = 0 : i64, tpu.core_type = #tpu.core_type<tc>} {
    %get3A = arith.constant 0 : index
    %get3A_0 = arith.constant 0 : index
    %get3A_1 = vector.load %arg0[%get3A, %get3A_0] : memref<10000x128xf32, #tpu.memory_space<vmem>>, vector<10000x128xf32>
    %get3A_2 = arith.constant 0 : index
    %get3A_3 = arith.constant 0 : index
    %get3A_4 = vector.load %arg1[%get3A_2, %get3A_3] : memref<128x64xf32, #tpu.memory_space<vmem>>, vector<128x64xf32>
    %dot_general3A = arith.constant dense<0.000000e+00> : vector<10000x64xf32>
    %dot_general3A_5 = tpu.matmul %get3A_1, %get3A_4, %dot_general3A {dimension_numbers = #tpu.dot_dimension_numbers<[1], [0], [0], [1], [0, 0, 1, 1], [], []>, transpose_lhs_hint = false} : vector<10000x128xf32>, vector<128x64xf32>, vector<10000x64xf32> -> vector<10000x64xf32>
    %slice3A = vector.extract_strided_slice %dot_general3A_5 {offsets = [0, 0], sizes = [5120, 64], strides = [1, 1]} : vector<10000x64xf32> to vector<5120x64xf32>
    %slice3A_6 = vector.extract_strided_slice %dot_general3A_5 {offsets = [5120, 0], sizes = [4880, 64], strides = [1, 1]} : vector<10000x64xf32> to vector<4880x64xf32>
    %broadcast_in_dim3A = arith.constant 0.000000e+00 : f32
    %broadcast_in_dim3A_7 = vector.broadcast %broadcast_in_dim3A : f32 to vector<240x64xf32>
    %concatenate3A = tpu.concatenate %slice3A_6, %broadcast_in_dim3A_7 in 0 : vector<4880x64xf32>, vector<240x64xf32> -> vector<5120x64xf32>
    %concatenate3A_8 = tpu.concatenate %slice3A, %concatenate3A in 1 : vector<5120x64xf32>, vector<5120x64xf32> -> vector<5120x128xf32>
    %swap3A = arith.constant 0 : index
    %swap3A_9 = arith.constant 0 : index
    %swap3A_10 = vector.load %arg3[%swap3A, %swap3A_9] : memref<5120x128xf32, #tpu.memory_space<vmem>>, vector<5120x128xf32>
    tpu.vector_store %arg3[%swap3A, %swap3A_9], %concatenate3A_8 {strides = array<i32>} : memref<5120x128xf32, #tpu.memory_space<vmem>>, vector<5120x128xf32>,
    %get3A_11 = arith.constant 0 : index
    %get3A_12 = arith.constant 0 : index
    %get3A_13 = arith.constant 0 : index
    %get3A_14 = vector.load %arg2[%get3A_11, %get3A_12, %get3A_13] : memref<2x2500x128xi32, #tpu.memory_space<vmem>>, vector<1x2500x128xi32>
    %get3A_15 = vector.shape_cast %get3A_14 : vector<1x2500x128xi32> to vector<2500x128xi32>
    %mul3A = arith.constant 2 : i32
    %mul3A_16 = vector.broadcast %mul3A : i32 to vector<2500x128xi32>
    %mul3A_17 = arith.muli %mul3A_16, %get3A_15 : vector<2500x128xi32>
    %ge3A = arith.constant 5120 : i32
    %ge3A_18 = vector.broadcast %ge3A : i32 to vector<2500x128xi32>
    %ge3A_19 = arith.cmpi sge, %get3A_15, %ge3A_18 : vector<2500x128xi32>
    %convert_element_type3A = arith.extui %ge3A_19 : vector<2500x128xi1> to vector<2500x128xi32>
    %mul3A_20 = arith.constant 10239 : i32
    %mul3A_21 = vector.broadcast %mul3A_20 : i32 to vector<2500x128xi32>
    %mul3A_22 = arith.muli %mul3A_21, %convert_element_type3A : vector<2500x128xi32>
    %sub3A = arith.subi %mul3A_17, %mul3A_22 : vector<2500x128xi32>
    %swap3A_23 = arith.constant 0 : index
    %swap3A_24 = arith.constant 0 : index
    %swap3A_25 = vector.load %arg4[%swap3A_23, %swap3A_24] : memref<2500x128xi32, #tpu.memory_space<vmem>>, vector<2500x128xi32>
    tpu.vector_store %arg4[%swap3A_23, %swap3A_24], %sub3A {strides = array<i32>} : memref<2500x128xi32, #tpu.memory_space<vmem>>, vector<2500x128xi32>,
    %get3A_26 = arith.constant 1 : index
    %get3A_27 = arith.constant 0 : index
    %get3A_28 = arith.constant 0 : index
    %get3A_29 = vector.load %arg2[%get3A_26, %get3A_27, %get3A_28] : memref<2x2500x128xi32, #tpu.memory_space<vmem>>, vector<1x2500x128xi32>
    %get3A_30 = vector.shape_cast %get3A_29 : vector<1x2500x128xi32> to vector<2500x128xi32>
    %mul3A_31 = arith.constant 2 : i32
    %mul3A_32 = vector.broadcast %mul3A_31 : i32 to vector<2500x128xi32>
    %mul3A_33 = arith.muli %mul3A_32, %get3A_30 : vector<2500x128xi32>
    %ge3A_34 = arith.constant 5120 : i32
    %ge3A_35 = vector.broadcast %ge3A_34 : i32 to vector<2500x128xi32>
    %ge3A_36 = arith.cmpi sge, %get3A_30, %ge3A_35 : vector<2500x128xi32>
    %convert_element_type3A_37 = arith.extui %ge3A_36 : vector<2500x128xi1> to vector<2500x128xi32>
    %mul3A_38 = arith.constant 10239 : i32
    %mul3A_39 = vector.broadcast %mul3A_38 : i32 to vector<2500x128xi32>
    %mul3A_40 = arith.muli %mul3A_39, %convert_element_type3A_37 : vector<2500x128xi32>
    %sub3A_41 = arith.subi %mul3A_33, %mul3A_40 : vector<2500x128xi32>
    %swap3A_42 = arith.constant 0 : index
    %swap3A_43 = arith.constant 0 : index
    %swap3A_44 = vector.load %arg5[%swap3A_42, %swap3A_43] : memref<2500x128xi32, #tpu.memory_space<vmem>>, vector<2500x128xi32>
    tpu.vector_store %arg5[%swap3A_42, %swap3A_43], %sub3A_41 {strides = array<i32>} : memref<2500x128xi32, #tpu.memory_space<vmem>>, vector<2500x128xi32>,
    return
  }
}

module attributes {stable_mosaic.version = 14 : i64} {
  func.func @_t1_body(%arg0: memref<5120x128xf32, #tpu.memory_space<vmem>>, %arg1: memref<10240x128xf32, #tpu.memory_space<vmem>>, %arg2: memref<5120x128xf32, #tpu.memory_space<vmem>>, %arg3: memref<5120x128xf32, #tpu.memory_space<vmem>>) attributes {dimension_semantics = [], scalar_prefetch = 0 : i64, scratch_operands = 0 : i64, tpu.core_type = #tpu.core_type<tc>} {
    %get3A = arith.constant 0 : index
    %get3A_0 = arith.constant 0 : index
    %get3A_1 = vector.load %arg1[%get3A, %get3A_0] : memref<10240x128xf32, #tpu.memory_space<vmem>>, vector<5120x128xf32>
    %get3A_2 = arith.constant 5120 : index
    %get3A_3 = arith.constant 0 : index
    %get3A_4 = vector.load %arg1[%get3A_2, %get3A_3] : memref<10240x128xf32, #tpu.memory_space<vmem>>, vector<5120x128xf32>
    %add3A = arith.addf %get3A_1, %get3A_4 : vector<5120x128xf32>
    %add3A_5 = arith.constant 1.000000e+00 : f32
    %add3A_6 = vector.broadcast %add3A_5 : f32 to vector<5120x128xf32>
    %add3A_7 = arith.addf %add3A, %add3A_6 : vector<5120x128xf32>
    %rsqrt3A = math.rsqrt %add3A_7 : vector<5120x128xf32>
    %swap3A = arith.constant 0 : index
    %swap3A_8 = arith.constant 0 : index
    %swap3A_9 = vector.load %arg3[%swap3A, %swap3A_8] : memref<5120x128xf32, #tpu.memory_space<vmem>>, vector<5120x128xf32>
    tpu.vector_store %arg3[%swap3A, %swap3A_8], %rsqrt3A {strides = array<i32>} : memref<5120x128xf32, #tpu.memory_space<vmem>>, vector<5120x128xf32>,
    %get3A_10 = arith.constant 0 : index
    %get3A_11 = arith.constant 0 : index
    %get3A_12 = vector.load %arg0[%get3A_10, %get3A_11] : memref<5120x128xf32, #tpu.memory_space<vmem>>, vector<5120x128xf32>
    %mul3A = arith.mulf %get3A_12, %rsqrt3A : vector<5120x128xf32>
    %swap3A_13 = arith.constant 0 : index
    %swap3A_14 = arith.constant 0 : index
    %swap3A_15 = vector.load %arg2[%swap3A_13, %swap3A_14] : memref<5120x128xf32, #tpu.memory_space<vmem>>, vector<5120x128xf32>
    tpu.vector_store %arg2[%swap3A_13, %swap3A_14], %mul3A {strides = array<i32>} : memref<5120x128xf32, #tpu.memory_space<vmem>>, vector<5120x128xf32>,
    return
  }
}

module attributes {stable_mosaic.version = 14 : i64} {
  func.func @_t2_body(%arg0: memref<10240x128xf32, #tpu.memory_space<vmem>>, %arg1: memref<5120x128xf32, #tpu.memory_space<vmem>>, %arg2: memref<5120x128xf32, #tpu.memory_space<vmem>>, %arg3: memref<1x128xf32, #tpu.memory_space<vmem>>, %arg4: memref<5120x128xf32, #tpu.memory_space<vmem>>) attributes {dimension_semantics = [], scalar_prefetch = 0 : i64, scratch_operands = 0 : i64, tpu.core_type = #tpu.core_type<tc>} {
    %get3A = arith.constant 0 : index
    %get3A_0 = arith.constant 0 : index
    %get3A_1 = vector.load %arg2[%get3A, %get3A_0] : memref<5120x128xf32, #tpu.memory_space<vmem>>, vector<5120x128xf32>
    %get3A_2 = arith.constant 0 : index
    %get3A_3 = arith.constant 0 : index
    %get3A_4 = vector.load %arg0[%get3A_2, %get3A_3] : memref<10240x128xf32, #tpu.memory_space<vmem>>, vector<5120x128xf32>
    %get3A_5 = arith.constant 5120 : index
    %get3A_6 = arith.constant 0 : index
    %get3A_7 = vector.load %arg0[%get3A_5, %get3A_6] : memref<10240x128xf32, #tpu.memory_space<vmem>>, vector<5120x128xf32>
    %add3A = arith.addf %get3A_4, %get3A_7 : vector<5120x128xf32>
    %get3A_8 = arith.constant 0 : index
    %get3A_9 = arith.constant 0 : index
    %get3A_10 = vector.load %arg1[%get3A_8, %get3A_9] : memref<5120x128xf32, #tpu.memory_space<vmem>>, vector<5120x128xf32>
    %add3A_11 = arith.addf %add3A, %get3A_10 : vector<5120x128xf32>
    %mul3A = arith.mulf %get3A_1, %add3A_11 : vector<5120x128xf32>
    %get3A_12 = arith.constant 0 : index
    %get3A_13 = arith.constant 0 : index
    %get3A_14 = vector.load %arg3[%get3A_12, %get3A_13] : memref<1x128xf32, #tpu.memory_space<vmem>>, vector<1x128xf32>
    %add3A_15 = vector.broadcast %get3A_14 : vector<1x128xf32> to vector<5120x128xf32>
    %add3A_16 = arith.addf %mul3A, %add3A_15 : vector<5120x128xf32>
    %max3A = arith.constant 0.000000e+00 : f32
    %max3A_17 = vector.broadcast %max3A : f32 to vector<5120x128xf32>
    %max3A_18 = arith.maximumf %add3A_16, %max3A_17 : vector<5120x128xf32>
    %mul3A_19 = arith.mulf %max3A_18, %max3A_18 : vector<5120x128xf32>
    %slice3A = vector.extract_strided_slice %mul3A_19 {offsets = [0, 0], sizes = [5120, 64], strides = [1, 1]} : vector<5120x128xf32> to vector<5120x64xf32>
    %reduce_sum3A = arith.constant dense<0.000000e+00> : vector<5120xf32>
    %reduce_sum3A_20 = vector.multi_reduction <add>, %slice3A, %reduce_sum3A [1] : vector<5120x64xf32> to vector<5120xf32>
    %broadcast_in_dim3A = vector.shape_cast %reduce_sum3A_20 : vector<5120xf32> to vector<5120x1xf32>
    %sqrt3A = math.sqrt %broadcast_in_dim3A : vector<5120x1xf32>
    %max3A_21 = arith.constant 9.99999996E-13 : f32
    %max3A_22 = vector.broadcast %max3A_21 : f32 to vector<5120x1xf32>
    %max3A_23 = arith.maximumf %sqrt3A, %max3A_22 : vector<5120x1xf32>
    %div3A = arith.constant 1.000000e+00 : f32
    %div3A_24 = vector.broadcast %div3A : f32 to vector<5120x1xf32>
    %div3A_25 = arith.divf %div3A_24, %max3A_23 : vector<5120x1xf32>
    %slice3A_26 = vector.extract_strided_slice %mul3A_19 {offsets = [0, 64], sizes = [5120, 64], strides = [1, 1]} : vector<5120x128xf32> to vector<5120x64xf32>
    %reduce_sum3A_27 = arith.constant dense<0.000000e+00> : vector<5120xf32>
    %reduce_sum3A_28 = vector.multi_reduction <add>, %slice3A_26, %reduce_sum3A_27 [1] : vector<5120x64xf32> to vector<5120xf32>
    %broadcast_in_dim3A_29 = vector.shape_cast %reduce_sum3A_28 : vector<5120xf32> to vector<5120x1xf32>
    %sqrt3A_30 = math.sqrt %broadcast_in_dim3A_29 : vector<5120x1xf32>
    %max3A_31 = arith.constant 9.99999996E-13 : f32
    %max3A_32 = vector.broadcast %max3A_31 : f32 to vector<5120x1xf32>
    %max3A_33 = arith.maximumf %sqrt3A_30, %max3A_32 : vector<5120x1xf32>
    %div3A_34 = arith.constant 1.000000e+00 : f32
    %div3A_35 = vector.broadcast %div3A_34 : f32 to vector<5120x1xf32>
    %div3A_36 = arith.divf %div3A_35, %max3A_33 : vector<5120x1xf32>
    %broadcast_in_dim3A_37 = vector.shape_cast %div3A_25 : vector<5120x1xf32> to vector<5120x1xf32>
    %broadcast_in_dim3A_38 = vector.broadcast %broadcast_in_dim3A_37 : vector<5120x1xf32> to vector<5120x64xf32>
    %broadcast_in_dim3A_39 = vector.shape_cast %div3A_36 : vector<5120x1xf32> to vector<5120x1xf32>
    %broadcast_in_dim3A_40 = vector.broadcast %broadcast_in_dim3A_39 : vector<5120x1xf32> to vector<5120x64xf32>
    %concatenate3A = tpu.concatenate %broadcast_in_dim3A_38, %broadcast_in_dim3A_40 in 1 : vector<5120x64xf32>, vector<5120x64xf32> -> vector<5120x128xf32>
    %mul3A_41 = arith.mulf %max3A_18, %concatenate3A : vector<5120x128xf32>
    %mul3A_42 = arith.mulf %mul3A_41, %get3A_1 : vector<5120x128xf32>
    %swap3A = arith.constant 0 : index
    %swap3A_43 = arith.constant 0 : index
    %swap3A_44 = vector.load %arg4[%swap3A, %swap3A_43] : memref<5120x128xf32, #tpu.memory_space<vmem>>, vector<5120x128xf32>
    tpu.vector_store %arg4[%swap3A, %swap3A_43], %mul3A_42 {strides = array<i32>} : memref<5120x128xf32, #tpu.memory_space<vmem>>, vector<5120x128xf32>,
    return
  }
}

module attributes {stable_mosaic.version = 14 : i64} {
  func.func @_t3_body(%arg0: memref<10240x128xf32, #tpu.memory_space<vmem>>, %arg1: memref<5120x128xf32, #tpu.memory_space<vmem>>, %arg2: memref<5120x128xf32, #tpu.memory_space<vmem>>, %arg3: memref<64x128xf32, #tpu.memory_space<vmem>>, %arg4: memref<1x128xf32, #tpu.memory_space<vmem>>, %arg5: memref<10000x128xf32, #tpu.memory_space<vmem>>) attributes {dimension_semantics = [], scalar_prefetch = 0 : i64, scratch_operands = 0 : i64, tpu.core_type = #tpu.core_type<tc>} {
    %get3A = arith.constant 0 : index
    %get3A_0 = arith.constant 0 : index
    %get3A_1 = vector.load %arg0[%get3A, %get3A_0] : memref<10240x128xf32, #tpu.memory_space<vmem>>, vector<5120x128xf32>
    %get3A_2 = arith.constant 5120 : index
    %get3A_3 = arith.constant 0 : index
    %get3A_4 = vector.load %arg0[%get3A_2, %get3A_3] : memref<10240x128xf32, #tpu.memory_space<vmem>>, vector<5120x128xf32>
    %get3A_5 = arith.constant 0 : index
    %get3A_6 = arith.constant 0 : index
    %get3A_7 = vector.load %arg2[%get3A_5, %get3A_6] : memref<5120x128xf32, #tpu.memory_space<vmem>>, vector<5120x128xf32>
    %add3A = arith.addf %get3A_1, %get3A_4 : vector<5120x128xf32>
    %get3A_8 = arith.constant 0 : index
    %get3A_9 = arith.constant 0 : index
    %get3A_10 = vector.load %arg1[%get3A_8, %get3A_9] : memref<5120x128xf32, #tpu.memory_space<vmem>>, vector<5120x128xf32>
    %add3A_11 = arith.addf %add3A, %get3A_10 : vector<5120x128xf32>
    %mul3A = arith.mulf %get3A_7, %add3A_11 : vector<5120x128xf32>
    %slice3A = vector.extract_strided_slice %mul3A {offsets = [0, 0], sizes = [5120, 64], strides = [1, 1]} : vector<5120x128xf32> to vector<5120x64xf32>
    %get3A_12 = arith.constant 0 : index
    %get3A_13 = arith.constant 0 : index
    %get3A_14 = vector.load %arg3[%get3A_12, %get3A_13] : memref<64x128xf32, #tpu.memory_space<vmem>>, vector<64x128xf32>
    %dot_general3A = arith.constant dense<0.000000e+00> : vector<5120x128xf32>
    %dot_general3A_15 = tpu.matmul %slice3A, %get3A_14, %dot_general3A {dimension_numbers = #tpu.dot_dimension_numbers<[1], [0], [0], [1], [0, 0, 1, 1], [], []>, transpose_lhs_hint = false} : vector<5120x64xf32>, vector<64x128xf32>, vector<5120x128xf32> -> vector<5120x128xf32>
    %slice3A_16 = vector.extract_strided_slice %mul3A {offsets = [0, 64], sizes = [5120, 64], strides = [1, 1]} : vector<5120x128xf32> to vector<5120x64xf32>
    %get3A_17 = arith.constant 0 : index
    %get3A_18 = arith.constant 0 : index
    %get3A_19 = vector.load %arg3[%get3A_17, %get3A_18] : memref<64x128xf32, #tpu.memory_space<vmem>>, vector<64x128xf32>
    %dot_general3A_20 = arith.constant dense<0.000000e+00> : vector<5120x128xf32>
    %dot_general3A_21 = tpu.matmul %slice3A_16, %get3A_19, %dot_general3A_20 {dimension_numbers = #tpu.dot_dimension_numbers<[1], [0], [0], [1], [0, 0, 1, 1], [], []>, transpose_lhs_hint = false} : vector<5120x64xf32>, vector<64x128xf32>, vector<5120x128xf32> -> vector<5120x128xf32>
    %slice3A_22 = vector.extract_strided_slice %dot_general3A_21 {offsets = [0, 0], sizes = [4880, 128], strides = [1, 1]} : vector<5120x128xf32> to vector<4880x128xf32>
    %concatenate3A = tpu.concatenate %dot_general3A_15, %slice3A_22 in 0 : vector<5120x128xf32>, vector<4880x128xf32> -> vector<10000x128xf32>
    %get3A_23 = arith.constant 0 : index
    %get3A_24 = arith.constant 0 : index
    %get3A_25 = vector.load %arg4[%get3A_23, %get3A_24] : memref<1x128xf32, #tpu.memory_space<vmem>>, vector<1x128xf32>
    %add3A_26 = vector.broadcast %get3A_25 : vector<1x128xf32> to vector<10000x128xf32>
    %add3A_27 = arith.addf %concatenate3A, %add3A_26 : vector<10000x128xf32>
    %swap3A = arith.constant 0 : index
    %swap3A_28 = arith.constant 0 : index
    %swap3A_29 = vector.load %arg5[%swap3A, %swap3A_28] : memref<10000x128xf32, #tpu.memory_space<vmem>>, vector<10000x128xf32>
    tpu.vector_store %arg5[%swap3A, %swap3A_28], %add3A_27 {strides = array<i32>} : memref<10000x128xf32, #tpu.memory_space<vmem>>, vector<10000x128xf32>,
    return
  }
}

</mosaic_0001>

<sc_bundles>
// kernel: kernel.12.cloned.1.call-start
scs
__scs_entry_jumppad:
0x0: {  	(pc) =	sbr.rel $0x88, $3  }
0x1: {  	(tag) =	ssettag $0x0;
	lr =	simm.s32 $0x1  }
0x2: {  	[smem:$0x3F9B] =	sst lr;
	_ =	strace $0xD0000000  }
0x3: {  	_ = 	snop  }
0x4: {  	_ = 	snop  }
0x5: {  	_ = 	snop  }
0x6: {  	_ = 	snop  }
0x7: {  	_ = 	snop  }
__scs_overlays_trampoline_lowered:
0x8: {  	[smem:$0x3FAA] =	sst s0  }
0x9: {  	[smem:$0x3FAB] =	sst s1  }
0xa: {  	[smem:$0x3FAC] =	sst s2  }
0xb: {  	[smem:$0x3FAD] =	sst s3  }
0xc: {  	[smem:$0x3FAE] =	sst s4  }
0xd: {  	[smem:$0x3FAF] =	sst s5  }
0xe: {  	[smem:$0x3FB0] =	sst s6  }
0xf: {  	[smem:$0x3FB1] =	sst s7  }
0x10: {  	[smem:$0x3FB2] =	sst s8  }
0x11: {  	[smem:$0x3FB3] =	sst s9;
	s0 =	simm.s32 @!p0 $0x0  }
0x12: {  	s1 =	sld [smem:$0x3F99];
	s0 =	simm.s32 @p0 $0x1  }
0x13: {  	[smem:$0x3FB4] =	sst s0;
	s0 =	simm.s32 @!p1 $0x0  }
0x14: {  	s2 =	sld [smem:$0x3F98];
	s0 =	simm.s32 @p1 $0x1  }
0x15: {  	[smem:$0x3FB5] =	sst s0;
	s0 =	simm.s32 @!p2 $0x0  }
0x16: {  	s3 =	sld [smem:$0x3FDB];
	s0 =	simm.s32 @p2 $0x1  }
0x17: {  	s4 =	simm.s32 $0x1BF5;
	[smem:$0x3FB7] =	sst s0  }
0x18: {  	s0 =	sld [smem:$0x3F9A];
	_ =	swait.ge [sflag:s4], $0x0  }
0x19: {  	s7 =	sld [smem:$0x3F9B]  }
0x1a: {  	s8 =	sadd.s32 $0xFFFFE003, lr  }
0x1b: {  	s9 =	sadd.s32 $0xFFFFFEF7, lr;
	s5 =	simm.s32 $0xFFFFFFFF;
	p2 =	slt.u32 s8, $0xFFFFF086  }
0x1c: {  	p1 =	slt.u32 s9, $0xF7A;
	s5 =	simm.s32 @!p2 $0x0  }
0x1d: {  	s5 =	simm.s32 @p1 $0x1;
	p0 =	seq.s32 s7, s2  }
0x1e: {  	s7 =	smul.u32 @!p0 $0xF7A, s2;
	p2 =	seq.s32 @!p0 s5, $0x0  }
0x1f: {  	s9 =	smul.u32 $0xF7A, s1;
	s8 =	simm.s32 @!p0 $0x1BF5;
	p2 =	por !p2, p0  }
0x20: {  	[sflag:s8] =	ssyncset.s32 @!p0 $0xFFFFF086;
	s6 =	sadd.s32 @!p0 s3, s7;
	s7 =	simm.s32 @!p0 $0x108  }
0x21: {  	s3 =	sadd.s32 s3, s9;
	s6 =	sadd.s32 @!p0 $0x88, s6;
	s7 =	simm.s32 @p2 $0x1082  }
0x22: {  	[simem:s7], [sflag:s8] =	dma.local @!p0 [hbm:s6], $0xF7A  }
0x23: {  	s9 =	sor.u32 $0xD0000000, s2;
	s6 =	simm.s32 $0x108;
	_ =	swait.ge @!p0 [sflag:s8], $0x0  }
0x24: {  	s3 =	sadd.s32 $0x88, s3;
	s6 =	simm.s32 @!p1 $0x1082;
	[sflag:s4] =	ssyncset.s32 $0xFFFFF086  }
0x25: {  	[simem:s6], [sflag:s4] =	dma.local [hbm:s3], $0xF7A  }
0x26: {  	[smem:$0x3F9B] =	sst s1;
	(tag) =	ssettag s2;
	_ =	strace s9  }
0x27: {  	s1 =	sld [smem:$0x3FAB]  }
0x28: {  	s2 =	sld [smem:$0x3FAC]  }
0x29: {  	s4 =	sld [smem:$0x3FAE]  }
0x2a: {  	p0 =	seq.s32 s5, $0x0;
	s5 =	sld [smem:$0x3FAF]  }
0x2b: {  	s6 =	sld [smem:$0x3FB0]  }
0x2c: {  	s7 =	sld [smem:$0x3FB1]  }
0x2d: {  	s3 =	simm.s32 $0x108;
	s8 =	sld [smem:$0x3FB2]  }
0x2e: {  	s3 =	simm.s32 @!p0 $0x1082;
	s9 =	sld [smem:$0x3FB3]  }
0x2f: {  	lr =	sadd.s32 s0, s3;
	s0 =	sld [smem:$0x3FAA]  }
0x30: {  	s3 =	sld [smem:$0x3FAD]  }
0x31: {  	[smem:$0x3FB6] =	sst s10  }
0x32: {  	s10 =	sld [smem:$0x3FB4];
	_ =	sdelay $0x3  }
0x33: {  	p0 =	seq.s32 s10, $0x1;
	s10 =	sld [smem:$0x3FB6];
	_ =	sdelay $0x3  }
0x34: {  	[smem:$0x3FB6] =	sst s10  }
0x35: {  	s10 =	sld [smem:$0x3FB5];
	_ =	sdelay $0x3  }
0x36: {  	p1 =	seq.s32 s10, $0x1;
	s10 =	sld [smem:$0x3FB6];
	_ =	sdelay $0x3  }
0x37: {  	[smem:$0x3FB6] =	sst s10  }
0x38: {  	s10 =	sld [smem:$0x3FB7]  }
0x39: {  	_ = 	snop;
	(pc) =	sbr.ind lr, $3  }
0x3a: {  	_ = 	snop  }
0x3b: {  	_ = 	snop  }
0x3c: {  	p2 =	seq.s32 s10, $0x1;
	s10 =	sld [smem:$0x3FB6]  }
0x3d: {  	_ =	shalt  }
0x3e: {  	_ =	shalt  }
0x3f: {  	_ =	shalt  }
0x40: {  	_ =	shalt  }
0x41: {  	_ =	shalt  }
0x42: {  	_ =	shalt  }
0x43: {  	_ =	shalt  }
0x44: {  	_ =	shalt  }
0x45: {  	_ =	shalt  }
0x46: {  	_ =	shalt  }
0x47: {  	_ =	shalt  }
0x48: {  	_ =	shalt  }
0x49: {  	_ =	shalt  }
0x4a: {  	_ =	shalt  }
0x4b: {  	_ =	shalt  }
0x4c: {  	_ =	shalt  }
0x4d: {  	_ =	shalt  }
0x4e: {  	_ =	shalt  }
0x4f: {  	_ =	shalt  }
0x50: {  	_ =	shalt  }
0x51: {  	_ =	shalt  }
0x52: {  	_ =	shalt  }
0x53: {  	_ =	shalt  }
0x54: {  	_ =	shalt  }
0x55: {  	_ =	shalt  }
0x56: {  	_ =	shalt  }
0x57: {  	_ =	shalt  }
0x58: {  	_ =	shalt  }
0x59: {  	_ =	shalt  }
0x5a: {  	_ =	shalt  }
0x5b: {  	_ =	shalt  }
0x5c: {  	_ =	shalt  }
0x5d: {  	_ =	shalt  }
0x5e: {  	_ =	shalt  }
0x5f: {  	_ =	shalt  }
0x60: {  	_ =	shalt  }
0x61: {  	_ =	shalt  }
0x62: {  	_ =	shalt  }
0x63: {  	_ =	shalt  }
0x64: {  	_ =	shalt  }
0x65: {  	_ =	shalt  }
0x66: {  	_ =	shalt  }
0x67: {  	_ =	shalt  }
0x68: {  	_ =	shalt  }
0x69: {  	_ =	shalt  }
0x6a: {  	_ =	shalt  }
0x6b: {  	_ =	shalt  }
0x6c: {  	_ =	shalt  }
0x6d: {  	_ =	shalt  }
0x6e: {  	_ =	shalt  }
0x6f: {  	_ =	shalt  }
0x70: {  	_ =	shalt  }
0x71: {  	_ =	shalt  }
0x72: {  	_ =	shalt  }
0x73: {  	_ =	shalt  }
0x74: {  	_ =	shalt  }
0x75: {  	_ =	shalt  }
0x76: {  	_ =	shalt  }
0x77: {  	_ =	shalt  }
0x78: {  	_ =	shalt  }
0x79: {  	_ =	shalt  }
0x7a: {  	_ =	shalt  }
0x7b: {  	_ =	shalt  }
0x7c: {  	_ =	shalt  }
0x7d: {  	_ =	shalt  }
0x7e: {  	_ =	shalt  }
0x7f: {  	_ =	shalt  }
0x80: {  	_ =	shalt  }
0x81: {  	_ =	shalt  }
0x82: {  	_ =	shalt  }
0x83: {  	_ =	shalt  }
0x84: {  	_ =	shalt  }
0x85: {  	_ =	shalt  }
0x86: {  	_ =	shalt  }
0x87: {  	_ =	shalt  }
.Lfunc_end0:
.L_simem_size_0:
called_computation.1_lowered:
.L_overlay_start_0:
0x88: {  	s2 =	sld [smem:$0x3FD9]  }
0x89: {  	s3 =	sld [smem:$0x3FFE];
	_ =	sdelay $0x1  }
0x8a: {  	s1 =	srdreg.scid  }
0x8b: {  	s0 =	sand.u32 $0x1, s1  }
0x8c: {  	s17 =	sshll.u32 s0, $0xA;
	s2 =	sadd.s32 s3, s2  }
0x8d: {  	s2 =	sadd.s32 s2, s17  }
0x8e: {  	[smem:$0x3FC2] =	sst s2  }
0x8f: {  	_ = 	snop  }
0x90: {  	s2 =	sld [smem:$0x3FD0];
	(tm) =	ssettm $0x1  }
0x91: {  	s18 =	sld [smem:$0x3FFB];
	_ =	sdelay $0x3  }
0x92: {  	_ =	strace s18  }
0x93: {  	s3 =	sld [smem:$0x3FFC];
	_ =	sdelay $0x3  }
0x94: {  	_ =	strace s3  }
0x95: {  	s3 =	sld [smem:$0x3FFD];
	_ =	sdelay $0x3  }
0x96: {  	_ =	strace s3  }
0x97: {  	_ =	strace $0x8FFFFFFF  }
0x98: {  	s19 =	sld [smem:$0x3FDB];
	_ =	sdelay $0x1  }
0x99: {  	s4 =	simm.s32 $_scs_section_size  }
0x9a: {  	s5 =	simm.s32 $_size__tile_overlayer_lowered;
	s6 =	simm.s32 $_tile_overlayer_lowered  }
0x9b: {  	s22 =	simm.s32 $0x1BFF;
	s21 =	sshll.u32 s6, $0x1;
	s3 =	sadd.s32 s4, s19  }
0x9c: {  	s7 =	simm.s32 $0x0;
	s20 =	sshll.u32 s5, $0x1;
	s5 =	sadd.s32 s21, s3  }
0x9d: {  	[timem:s7], [sflag:s22] =	dma.local [hbm:s5], s20  }
0x9e: {  	_ =	swait.ge [sflag:s22], s20  }
0x9f: {  	s4 =	ssub.s32 $0x0, s20;
	[sflag:s22] =	ssyncset.done $0x0  }
0xa0: {  	[sflag:s22] =	ssyncadd.s32 s4;
	_ =	sdelay $0x1  }
0xa1: {  	s23 =	simm.s32 $0x1B8B  }
0xa2: {  	_ =	swait.ge [sflag:s23], $0x1  }
0xa3: {  	[sflag:s23] =	ssyncset.done $0x0  }
0xa4: {  	s25 =	simm.s32 $0x1B8E;
	s24 =	sld [smem:$0x3FFE];
	[sflag:s23] =	ssyncadd.s32 $0xFFFFFFFF  }
0xa5: {  	s26 =	simm.s32 $execute0_lowered;
	[smem:$0x3FD2] =	sst s25  }
0xa6: {  	s5 =	sshll.u32 s26, $0x1;
	_ =	strace $0x80000049;
	[dreg:$0x1] =	wrdreg $0xFFFFFFFF  }
0xa7: {  	s28 =	simm.s32 $_size_execute0_lowered;
	s3 =	sadd.s32 s3, s5;
	[dreg:$0x0] =	wrdreg $0x0  }
0xa8: {  	s5 =	sshll.u32 s28, $0x1;
	[dreg:$0x2] =	wrdreg s3  }
0xa9: {  	[dreg:$0x3] =	wrdreg s5  }
0xaa: {  	[dreg:$0x4] =	wrdreg $0xC0  }
0xab: {  	_ =	task [dreg:s7], $0x5FFFF  }
0xac: {  	[dreg:$0x1] =	wrdreg $0xFFFFFFFF  }
0xad: {  	[dreg:$0x0] =	wrdreg $0x60  }
0xae: {  	[dreg:$0x2] =	wrdreg s2  }
0xaf: {  	[dreg:$0x3] =	wrdreg s24  }
0xb0: {  	[dreg:$0x4] =	wrdreg $0xCD000  }
0xb1: {  	[dreg:$0x5] =	wrdreg $0x9  }
0xb2: {  	_ =	task.clear_ibuf [dreg:s7], $0x6FFFF;
	_ =	strace $0x90000049  }
0xb3: {  	s29 =	simm.s32 $0x9;
	_ =	strace $0x8000004B  }
0xb4: {  	_ =	swait.ge [sflag:s29], $0x1  }
0xb5: {  	[sflag:s29] =	ssyncadd.s32 $0xFFFFFFFF  }
0xb6: {  	_ =	strace $0x9000004B  }
0xb7: {  	_ =	sfence  }
0xb8: {  	s30 =	sld [smem:$0x0];
	_ =	sdelay $0x2  }
0xb9: {  	s31 =	sshll.u32 s1, $0xD;
	s1 =	sshrl.u32 s1, $0x2  }
0xba: {  	s3 =	sand.u32 $0x4000, s31;
	s1 =	sadd.s32 s1, s30  }
0xbb: {  	s0 =	sor.u32 s3, s0;
	s1 =	sshll.u32 s1, $0x11  }
0xbc: {  	s0 =	sor.u32 s1, s0  }
0xbd: {  	s0 =	sadd.s32 $0x8F2B, s0  }
0xbe: {  	[sflag:s0] =	ssyncadd.remote.s32 $0x1  }
0xbf: {  	_ =	sfence.sel $0xFFFF  }
0xc0: {  	[dreg:$0x0] =	wrdreg $0xFFFFFFFF;
	(pc) =	sbr.abs _section_cstart, $3  }
0xc1: {  	[dreg:$0x1] =	wrdreg $0xFFFFFFFF  }
0xc2: {  	_ =	task.clear_ibuf [dreg:s7], $0x2FFFF;
	_ =	strace $0x9FFFFFFF  }
0xc3: {  	(tm) =	ssettm $0x7FFFFFFF  }
tec
execute0_lowered:
.L_overlay_start_1:
0x0: {  	(tag) =	ssettag $0x1  }
0x1: {  	s1 =	rddreg [dreg:$0x0]  }
0x2: {  	s0 =	srdreg.scid;
	s5 =	rddreg [dreg:$0x1]  }
0x3: {  	s11 =	stileid.u32;
	s3 =	rddreg [dreg:$0x2]  }
0x4: {  	s4 =	simm.s32 $0x0;
	s12 =	simm.s32 $0x5;
	s14 =	simm.s32 $0x7D  }
0x5: {  	s15 =	simm.s32 $0x5000;
	s16 =	simm.s32 $0x80;
	s17 =	simm.s32 $0x6F40  }
0x6: {  	s18 =	simm.s32 $0x100;
	s19 =	simm.s32 $0x8E80;
	s20 =	simm.s32 $0x180  }
0x7: {  	s21 =	simm.s32 $0xADC0;
	s22 =	simm.s32 $0x1;
	s23 =	simm.s32 $0x2  }
0x8: {  	s28 =	simm.s32 $0x4E80;
	s29 =	simm.s32 $0x4F00;
	s30 =	simm.s32 $0x4F80  }
0x9: {  	s31 =	simm.s32 $0x0;
	s0 =	sand.u32 $0x1, s0;
	s6 =	smul.u32 $0xA000, s11  }
0xa: {  	[smem:$0x7FF] =	sst s4;
	s7 =	smul.u32 $0x1400, s11;
	s25 =	sshll.u32 s11, $0x6  }
0xb: {  	s2 =	sshll.u32 s0, $0x4;
	_ =	strace $0x8000004A;
	s8 =	smul.u32 $0x14000, s0  }
0xc: {  	s0 =	ssub.s32 $0x2, s0;
	s2 =	sor.u32 s11, s2;
	s9 =	sshrl.u32 s6, $0x3  }
0xd: {  	s24 =	sshrl.u32 s0, $0x1;
	s26 =	sadd.s32 s6, s3;
	s6 =	sor.u32 $0x1C05, s25  }
0xe: {  	s25 =	simm.s32 $0x4;
	s2 =	smul.u32 $0x500, s2;
	s9 =	sadd.s32 s9, s5  }
0xf: {  	s7 =	sadd.s32 s7, s8;
	s0 =	ssub.s32 s0, s24;
	s11 =	sshrl.u32 s26, $0x3  }
0x10: {  	s24 =	simm.s32 $0x3;
	s26 =	simm.s32 $0x4E00;
	s10 =	sadd.s32 s7, s5  }
0x11: {  	s2 =	sadd.s32 s2, s5;
	s5 =	sadd.s32 $0x3000, s9;
	s9 =	sadd.s32 $0x44200, s10  }
0x12: {  	s10 =	smax.u32 s0, $0x1;
	s7 =	sadd.s32 $0x3A200, s2;
	s8 =	sadd.s32 $0x30200, s2  }
.LBB2_1:
0x13: {  	[spmem:s11], [sflag:s6] =	dma.local [hbm:s5], $0x1400  }
0x14: {  	_ =	swait.ge [sflag:s12], $0x1400  }
0x15: {  	[sflag:s12] =	ssyncset.done $0x0  }
0x16: {  	[sflag:s12] =	ssyncadd.s32 $0xFFFFEC00  }
0x17: {  	[tilespmem:s4], [sflag:$0x5] =	stream.linear.gather [hbm4b:s7+s4], $0x2800, $0x38;
	[tilespmem:$0x16D00] =	vst v63  }
0x18: {  	_ =	swait.ge [sflag:s12], $0x2800  }
0x19: {  	[sflag:s12] =	ssyncset.done $0x0  }
0x1a: {  	s0 =	simm.s32 $0x2800;
	[sflag:s12] =	ssyncadd.s32 $0xFFFFD800  }
0x1b: {  	[tilespmem:s0], [sflag:$0x5] =	stream.linear.gather [hbm4b:s8+s4], $0x2800, $0x38;
	[tilespmem:$0x16D00] =	vst v63  }
0x1c: {  	_ =	swait.ge [sflag:s12], $0x2800  }
0x1d: {  	[sflag:s12] =	ssyncset.done $0x0  }
0x1e: {  	[sflag:s12] =	ssyncadd.s32 $0xFFFFD800  }
0x1f: {  	[bflag:$0x0] =	sbarrier.arrive $0xFFFF  }
0x20: {  	[tilespmem:s15], [sflag:$0x1] =	stream.indirect.gather [hbm4b:s1+s14], $0x40, s4, s14, $0xb8;
	[tilespmem:$0x16D00] =	vst v63  }
0x21: {  	_ = 	snop  }
0x22: {  	[tilespmem:s17], [sflag:$0x2] =	stream.indirect.gather [hbm4b:s1+s14], $0x40, s16, s14, $0xb8;
	[tilespmem:$0x16D00] =	vst v63  }
0x23: {  	_ = 	snop  }
0x24: {  	[tilespmem:s19], [sflag:$0x3] =	stream.indirect.gather [hbm4b:s1+s14], $0x40, s18, s14, $0xb8;
	[tilespmem:$0x16D00] =	vst v63  }
0x25: {  	_ = 	snop  }
0x26: {  	[tilespmem:s21], [sflag:$0x4] =	stream.indirect.gather [hbm4b:s1+s14], $0x40, s20, s14, $0xb8;
	[tilespmem:$0x16D00] =	vst v63  }
0x27: {  	_ =	swait.ge [sflag:s22], $0x1F40  }
0x28: {  	[sflag:s22] =	ssyncset.done $0x0  }
0x29: {  	s13 =	simm.s32 $0x2800;
	[sflag:s22] =	ssyncadd.s32 $0xFFFFE0C0  }
0x2a: {  	[spmem:s3] =	stream.indirect.scatter.add.f32 [tilespmem:s15], [sflag:$0x5], $0x40, s13, s14, $0xb8;
	[tilespmem:$0x16D00] =	vst v63  }
0x2b: {  	_ =	swait.ge [sflag:s12], $0x1F40  }
0x2c: {  	[sflag:s12] =	ssyncset.done $0x0  }
0x2d: {  	s2 =	simm.s32 $0x200;
	[sflag:s12] =	ssyncadd.s32 $0xFFFFE0C0  }
0x2e: {  	[tilespmem:s15], [sflag:$0x1] =	stream.indirect.gather [hbm4b:s1+s14], $0x40, s2, s14, $0xb8;
	[tilespmem:$0x16D00] =	vst v63  }
0x2f: {  	_ =	swait.ge [sflag:s23], $0x1F40  }
0x30: {  	[sflag:s23] =	ssyncset.done $0x0  }
0x31: {  	s13 =	simm.s32 $0x2880;
	[sflag:s23] =	ssyncadd.s32 $0xFFFFE0C0  }
0x32: {  	[spmem:s3] =	stream.indirect.scatter.add.f32 [tilespmem:s17], [sflag:$0x5], $0x40, s13, s14, $0xb8;
	[tilespmem:$0x16D00] =	vst v63  }
0x33: {  	_ =	swait.ge [sflag:s12], $0x1F40  }
0x34: {  	[sflag:s12] =	ssyncset.done $0x0  }
0x35: {  	s2 =	simm.s32 $0x280;
	[sflag:s12] =	ssyncadd.s32 $0xFFFFE0C0  }
0x36: {  	[tilespmem:s17], [sflag:$0x2] =	stream.indirect.gather [hbm4b:s1+s14], $0x40, s2, s14, $0xb8;
	[tilespmem:$0x16D00] =	vst v63  }
0x37: {  	_ =	swait.ge [sflag:s24], $0x1F40  }
0x38: {  	[sflag:s24] =	ssyncset.done $0x0  }
0x39: {  	s13 =	simm.s32 $0x2900;
	[sflag:s24] =	ssyncadd.s32 $0xFFFFE0C0  }
0x3a: {  	[spmem:s3] =	stream.indirect.scatter.add.f32 [tilespmem:s19], [sflag:$0x5], $0x40, s13, s14, $0xb8;
	[tilespmem:$0x16D00] =	vst v63  }
0x3b: {  	_ =	swait.ge [sflag:s12], $0x1F40  }
0x3c: {  	[sflag:s12] =	ssyncset.done $0x0  }
0x3d: {  	s2 =	simm.s32 $0x300;
	[sflag:s12] =	ssyncadd.s32 $0xFFFFE0C0  }
0x3e: {  	[tilespmem:s19], [sflag:$0x3] =	stream.indirect.gather [hbm4b:s1+s14], $0x40, s2, s14, $0xb8;
	[tilespmem:$0x16D00] =	vst v63  }
0x3f: {  	_ =	swait.ge [sflag:s25], $0x1F40  }
0x40: {  	[sflag:s25] =	ssyncset.done $0x0  }
0x41: {  	s13 =	simm.s32 $0x2980;
	[sflag:s25] =	ssyncadd.s32 $0xFFFFE0C0  }
0x42: {  	[spmem:s3] =	stream.indirect.scatter.add.f32 [tilespmem:s21], [sflag:$0x5], $0x40, s13, s14, $0xb8;
	[tilespmem:$0x16D00] =	vst v63  }
0x43: {  	_ =	swait.ge [sflag:s12], $0x1F40  }
0x44: {  	[sflag:s12] =	ssyncset.done $0x0  }
0x45: {  	s0 =	simm.s32 $0x380;
	s2 =	simm.s32 $0x800;
	[sflag:s12] =	ssyncadd.s32 $0xFFFFE0C0  }
.LBB2_2:
0x46: {  	[tilespmem:s21], [sflag:$0x4] =	stream.indirect.gather [hbm4b:s1+s14], $0x40, s0, s14, $0xb8;
	[tilespmem:$0x16D00] =	vst v63  }
0x47: {  	s0 =	smov.u32 s2  }
0x48: {  	p0 =	sne.s32 s2, $0x9000;
	s2 =	sadd.s32 $0x800, s2;
	_ =	swait.ge [sflag:s22], $0x1F40  }
0x49: {  	s0 =	sshra.s32 s0, $0x2;
	[sflag:s22] =	ssyncset.done $0x0  }
0x4a: {  	s13 =	sadd.s32 $0x2800, s0;
	[sflag:s22] =	ssyncadd.s32 $0xFFFFE0C0  }
0x4b: {  	[spmem:s3] =	stream.indirect.scatter.add.f32 [tilespmem:s15], [sflag:$0x5], $0x40, s13, s14, $0xb8;
	[tilespmem:$0x16D00] =	vst v63  }
0x4c: {  	_ =	swait.ge [sflag:s12], $0x1F40  }
0x4d: {  	[sflag:s12] =	ssyncset.done $0x0  }
0x4e: {  	s13 =	sadd.s32 $0x200, s0;
	[sflag:s12] =	ssyncadd.s32 $0xFFFFE0C0  }
0x4f: {  	[tilespmem:s15], [sflag:$0x1] =	stream.indirect.gather [hbm4b:s1+s14], $0x40, s13, s14, $0xb8;
	[tilespmem:$0x16D00] =	vst v63  }
0x50: {  	_ =	swait.ge [sflag:s23], $0x1F40  }
0x51: {  	[sflag:s23] =	ssyncset.done $0x0  }
0x52: {  	s13 =	sadd.s32 $0x2880, s0;
	[sflag:s23] =	ssyncadd.s32 $0xFFFFE0C0  }
0x53: {  	[spmem:s3] =	stream.indirect.scatter.add.f32 [tilespmem:s17], [sflag:$0x5], $0x40, s13, s14, $0xb8;
	[tilespmem:$0x16D00] =	vst v63  }
0x54: {  	_ =	swait.ge [sflag:s12], $0x1F40  }
0x55: {  	[sflag:s12] =	ssyncset.done $0x0  }
0x56: {  	s13 =	sadd.s32 $0x280, s0;
	[sflag:s12] =	ssyncadd.s32 $0xFFFFE0C0  }
0x57: {  	[tilespmem:s17], [sflag:$0x2] =	stream.indirect.gather [hbm4b:s1+s14], $0x40, s13, s14, $0xb8;
	[tilespmem:$0x16D00] =	vst v63  }
0x58: {  	_ =	swait.ge [sflag:s24], $0x1F40  }
0x59: {  	[sflag:s24] =	ssyncset.done $0x0  }
0x5a: {  	s13 =	sadd.s32 $0x2900, s0;
	[sflag:s24] =	ssyncadd.s32 $0xFFFFE0C0  }
0x5b: {  	[spmem:s3] =	stream.indirect.scatter.add.f32 [tilespmem:s19], [sflag:$0x5], $0x40, s13, s14, $0xb8;
	[tilespmem:$0x16D00] =	vst v63  }
0x5c: {  	_ =	swait.ge [sflag:s12], $0x1F40  }
0x5d: {  	[sflag:s12] =	ssyncset.done $0x0  }
0x5e: {  	s13 =	sadd.s32 $0x300, s0;
	[sflag:s12] =	ssyncadd.s32 $0xFFFFE0C0  }
0x5f: {  	[tilespmem:s19], [sflag:$0x3] =	stream.indirect.gather [hbm4b:s1+s14], $0x40, s13, s14, $0xb8;
	[tilespmem:$0x16D00] =	vst v63  }
0x60: {  	_ =	swait.ge [sflag:s25], $0x1F40  }
0x61: {  	[sflag:s25] =	ssyncset.done $0x0  }
.Ltmp0:
0x62: {  	s13 =	sadd.s32 $0x2980, s0;
	[sflag:s25] =	ssyncadd.s32 $0xFFFFE0C0;
	(pc) =	sbr.rel @p0 .LBB2_2-.Ltmp0, $4  }
0x63: {  	[spmem:s3] =	stream.indirect.scatter.add.f32 [tilespmem:s21], [sflag:$0x5], $0x40, s13, s14, $0xb8;
	[tilespmem:$0x16D00] =	vst v63  }
0x64: {  	_ =	swait.ge [sflag:s12], $0x1F40  }
0x65: {  	[sflag:s12] =	ssyncset.done $0x0  }
0x66: {  	s0 =	sadd.s32 $0x380, s0;
	[sflag:s12] =	ssyncadd.s32 $0xFFFFE0C0  }
0x67: {  	[tilespmem:s21], [sflag:$0x4] =	stream.indirect.gather [hbm4b:s1+s14], $0x40, s0, s14, $0xb8;
	[tilespmem:$0x16D00] =	vst v63  }
0x68: {  	_ =	swait.ge [sflag:s22], $0x1F40  }
0x69: {  	[sflag:s22] =	ssyncset.done $0x0  }
0x6a: {  	[sflag:s22] =	ssyncadd.s32 $0xFFFFE0C0  }
0x6b: {  	[spmem:s3] =	stream.indirect.scatter.add.f32 [tilespmem:s15], [sflag:$0x5], $0x40, s26, s14, $0xb8;
	[tilespmem:$0x16D00] =	vst v63  }
0x6c: {  	_ =	swait.ge [sflag:s12], $0x1F40  }
0x6d: {  	[sflag:s12] =	ssyncset.done $0x0  }
0x6e: {  	[sflag:s12] =	ssyncadd.s32 $0xFFFFE0C0  }
0x6f: {  	_ =	swait.ge [sflag:s23], $0x1F40  }
0x70: {  	[sflag:s23] =	ssyncset.done $0x0  }
0x71: {  	[sflag:s23] =	ssyncadd.s32 $0xFFFFE0C0  }
0x72: {  	[spmem:s3] =	stream.indirect.scatter.add.f32 [tilespmem:s17], [sflag:$0x5], $0x40, s28, s14, $0xb8;
	[tilespmem:$0x16D00] =	vst v63  }
0x73: {  	_ =	swait.ge [sflag:s12], $0x1F40  }
0x74: {  	[sflag:s12] =	ssyncset.done $0x0  }
0x75: {  	[sflag:s12] =	ssyncadd.s32 $0xFFFFE0C0  }
0x76: {  	_ =	swait.ge [sflag:s24], $0x1F40  }
0x77: {  	[sflag:s24] =	ssyncset.done $0x0  }
0x78: {  	[sflag:s24] =	ssyncadd.s32 $0xFFFFE0C0  }
0x79: {  	[spmem:s3] =	stream.indirect.scatter.add.f32 [tilespmem:s19], [sflag:$0x5], $0x40, s29, s14, $0xb8;
	[tilespmem:$0x16D00] =	vst v63  }
0x7a: {  	_ =	swait.ge [sflag:s12], $0x1F40  }
0x7b: {  	[sflag:s12] =	ssyncset.done $0x0  }
0x7c: {  	[sflag:s12] =	ssyncadd.s32 $0xFFFFE0C0  }
0x7d: {  	_ =	swait.ge [sflag:s25], $0x1F40  }
0x7e: {  	[sflag:s25] =	ssyncset.done $0x0  }
0x7f: {  	[sflag:s25] =	ssyncadd.s32 $0xFFFFE0C0  }
0x80: {  	[spmem:s3] =	stream.indirect.scatter.add.f32 [tilespmem:s21], [sflag:$0x5], $0x40, s30, s14, $0xb8;
	[tilespmem:$0x16D00] =	vst v63  }
0x81: {  	_ =	swait.ge [sflag:s12], $0x1F40  }
0x82: {  	s31 =	sadd.s32 $0x1, s31;
	[sflag:s12] =	ssyncset.done $0x0  }
0x83: {  	p0 =	sne.s32 s31, s10;
	[sflag:s12] =	ssyncadd.s32 $0xFFFFE0C0  }
.Ltmp1:
0x84: {  	[bflag:$0x0] =	sbarrier.arrive $0xFFFF;
	(pc) =	sbr.rel @p0 .LBB2_1-.Ltmp1, $4  }
0x85: {  	[hbm:s9], [sflag:s6] =	dma.local [spmem:s11], $0x1400  }
0x86: {  	_ =	swait.ge [sflag:s12], $0x1400  }
0x87: {  	[sflag:s12] =	ssyncset.done $0x0  }
0x88: {  	[sflag:s12] =	ssyncadd.s32 $0xFFFFEC00  }
0x89: {  	_ =	sfence.sel $0x180000  }
0x8a: {  	[bflag:$0x0] =	sbarrier.arrive $0xFFFF  }
0x8b: {  	_ =	strace $0x9000004A  }
0x8c: {  	s0 =	stileid.u32;
	[bflag:$0x2] =	sbarrier.arrive $0xFFFF  }
0x8d: {  	p0 =	sne.s32 s0, $0x0;
	s0 =	rddreg [dreg:$0x3]  }
0x8e: {  	s0 =	sadd.s32 @!p0 $0x100000, s0  }
0x8f: {  	[sflag:s0] =	ssyncadd.tile.s32 @!p0 $0x1;
	_ =	shalt  }
.Lfunc_end2:
_tile_overlayer_lowered:
.L_overlay_start_2:
0x90: {  	(tag) =	ssettag $0x2  }
0x91: {  	s0 =	rddreg [dreg:$0x0];
	s2 =	stileid.u32  }
0x92: {  	s1 =	rddreg [dreg:$0x1];
	p0 =	sne.s32 s2, $0x0  }
0x93: {  	s3 =	rddreg [dreg:$0x2];
	[bflag:$0x3] =	sbarrier.arrive $0xFFFF;
	s2 =	simm.s32 @!p0 $0x1C05  }
0x94: {  	[timem:s3], [sflag:s2] =	dma.local @!p0 [hbm:s0], s1  }
0x95: {  	s0 =	simm.s32 @!p0 $0x5  }
0x96: {  	_ =	swait.ge @!p0 [sflag:s0], s1  }
0x97: {  	s1 =	ssub.s32 @!p0 $0x0, s1;
	[sflag:s0] =	ssyncset.done @!p0 $0x0  }
0x98: {  	[sflag:s0] =	ssyncadd.s32 @!p0 s1  }
0x99: {  	[bflag:$0x3] =	sbarrier.arrive $0xFFFF  }
0x9a: {  	_ =	shalt  }

// kernel: kernel.15.cloned.1.call-start
scs
__scs_entry_jumppad:
0x0: {  	(pc) =	sbr.rel $0x88, $3  }
0x1: {  	(tag) =	ssettag $0x0;
	lr =	simm.s32 $0x1  }
0x2: {  	[smem:$0x3F9B] =	sst lr;
	_ =	strace $0xD0000000  }
0x3: {  	_ = 	snop  }
0x4: {  	_ = 	snop  }
0x5: {  	_ = 	snop  }
0x6: {  	_ = 	snop  }
0x7: {  	_ = 	snop  }
__scs_overlays_trampoline_lowered:
0x8: {  	[smem:$0x3FAA] =	sst s0  }
0x9: {  	[smem:$0x3FAB] =	sst s1  }
0xa: {  	[smem:$0x3FAC] =	sst s2  }
0xb: {  	[smem:$0x3FAD] =	sst s3  }
0xc: {  	[smem:$0x3FAE] =	sst s4  }
0xd: {  	[smem:$0x3FAF] =	sst s5  }
0xe: {  	[smem:$0x3FB0] =	sst s6  }
0xf: {  	[smem:$0x3FB1] =	sst s7  }
0x10: {  	[smem:$0x3FB2] =	sst s8  }
0x11: {  	[smem:$0x3FB3] =	sst s9;
	s0 =	simm.s32 @!p0 $0x0  }
0x12: {  	s1 =	sld [smem:$0x3F99];
	s0 =	simm.s32 @p0 $0x1  }
0x13: {  	[smem:$0x3FB4] =	sst s0;
	s0 =	simm.s32 @!p1 $0x0  }
0x14: {  	s2 =	sld [smem:$0x3F98];
	s0 =	simm.s32 @p1 $0x1  }
0x15: {  	[smem:$0x3FB5] =	sst s0;
	s0 =	simm.s32 @!p2 $0x0  }
0x16: {  	s3 =	sld [smem:$0x3FDB];
	s0 =	simm.s32 @p2 $0x1  }
0x17: {  	s4 =	simm.s32 $0x1BF5;
	[smem:$0x3FB7] =	sst s0  }
0x18: {  	s0 =	sld [smem:$0x3F9A];
	_ =	swait.ge [sflag:s4], $0x0  }
0x19: {  	s7 =	sld [smem:$0x3F9B]  }
0x1a: {  	s8 =	sadd.s32 $0xFFFFE003, lr  }
0x1b: {  	s9 =	sadd.s32 $0xFFFFFEF7, lr;
	s5 =	simm.s32 $0xFFFFFFFF;
	p2 =	slt.u32 s8, $0xFFFFF086  }
0x1c: {  	p1 =	slt.u32 s9, $0xF7A;
	s5 =	simm.s32 @!p2 $0x0  }
0x1d: {  	s5 =	simm.s32 @p1 $0x1;
	p0 =	seq.s32 s7, s2  }
0x1e: {  	s7 =	smul.u32 @!p0 $0xF7A, s2;
	p2 =	seq.s32 @!p0 s5, $0x0  }
0x1f: {  	s9 =	smul.u32 $0xF7A, s1;
	s8 =	simm.s32 @!p0 $0x1BF5;
	p2 =	por !p2, p0  }
0x20: {  	[sflag:s8] =	ssyncset.s32 @!p0 $0xFFFFF086;
	s6 =	sadd.s32 @!p0 s3, s7;
	s7 =	simm.s32 @!p0 $0x108  }
0x21: {  	s3 =	sadd.s32 s3, s9;
	s6 =	sadd.s32 @!p0 $0x88, s6;
	s7 =	simm.s32 @p2 $0x1082  }
0x22: {  	[simem:s7], [sflag:s8] =	dma.local @!p0 [hbm:s6], $0xF7A  }
0x23: {  	s9 =	sor.u32 $0xD0000000, s2;
	s6 =	simm.s32 $0x108;
	_ =	swait.ge @!p0 [sflag:s8], $0x0  }
0x24: {  	s3 =	sadd.s32 $0x88, s3;
	s6 =	simm.s32 @!p1 $0x1082;
	[sflag:s4] =	ssyncset.s32 $0xFFFFF086  }
0x25: {  	[simem:s6], [sflag:s4] =	dma.local [hbm:s3], $0xF7A  }
0x26: {  	[smem:$0x3F9B] =	sst s1;
	(tag) =	ssettag s2;
	_ =	strace s9  }
0x27: {  	s1 =	sld [smem:$0x3FAB]  }
0x28: {  	s2 =	sld [smem:$0x3FAC]  }
0x29: {  	s4 =	sld [smem:$0x3FAE]  }
0x2a: {  	p0 =	seq.s32 s5, $0x0;
	s5 =	sld [smem:$0x3FAF]  }
0x2b: {  	s6 =	sld [smem:$0x3FB0]  }
0x2c: {  	s7 =	sld [smem:$0x3FB1]  }
0x2d: {  	s3 =	simm.s32 $0x108;
	s8 =	sld [smem:$0x3FB2]  }
0x2e: {  	s3 =	simm.s32 @!p0 $0x1082;
	s9 =	sld [smem:$0x3FB3]  }
0x2f: {  	lr =	sadd.s32 s0, s3;
	s0 =	sld [smem:$0x3FAA]  }
0x30: {  	s3 =	sld [smem:$0x3FAD]  }
0x31: {  	[smem:$0x3FB6] =	sst s10  }
0x32: {  	s10 =	sld [smem:$0x3FB4];
	_ =	sdelay $0x3  }
0x33: {  	p0 =	seq.s32 s10, $0x1;
	s10 =	sld [smem:$0x3FB6];
	_ =	sdelay $0x3  }
0x34: {  	[smem:$0x3FB6] =	sst s10  }
0x35: {  	s10 =	sld [smem:$0x3FB5];
	_ =	sdelay $0x3  }
0x36: {  	p1 =	seq.s32 s10, $0x1;
	s10 =	sld [smem:$0x3FB6];
	_ =	sdelay $0x3  }
0x37: {  	[smem:$0x3FB6] =	sst s10  }
0x38: {  	s10 =	sld [smem:$0x3FB7]  }
0x39: {  	_ = 	snop;
	(pc) =	sbr.ind lr, $3  }
0x3a: {  	_ = 	snop  }
0x3b: {  	_ = 	snop  }
0x3c: {  	p2 =	seq.s32 s10, $0x1;
	s10 =	sld [smem:$0x3FB6]  }
0x3d: {  	_ =	shalt  }
0x3e: {  	_ =	shalt  }
0x3f: {  	_ =	shalt  }
0x40: {  	_ =	shalt  }
0x41: {  	_ =	shalt  }
0x42: {  	_ =	shalt  }
0x43: {  	_ =	shalt  }
0x44: {  	_ =	shalt  }
0x45: {  	_ =	shalt  }
0x46: {  	_ =	shalt  }
0x47: {  	_ =	shalt  }
0x48: {  	_ =	shalt  }
0x49: {  	_ =	shalt  }
0x4a: {  	_ =	shalt  }
0x4b: {  	_ =	shalt  }
0x4c: {  	_ =	shalt  }
0x4d: {  	_ =	shalt  }
0x4e: {  	_ =	shalt  }
0x4f: {  	_ =	shalt  }
0x50: {  	_ =	shalt  }
0x51: {  	_ =	shalt  }
0x52: {  	_ =	shalt  }
0x53: {  	_ =	shalt  }
0x54: {  	_ =	shalt  }
0x55: {  	_ =	shalt  }
0x56: {  	_ =	shalt  }
0x57: {  	_ =	shalt  }
0x58: {  	_ =	shalt  }
0x59: {  	_ =	shalt  }
0x5a: {  	_ =	shalt  }
0x5b: {  	_ =	shalt  }
0x5c: {  	_ =	shalt  }
0x5d: {  	_ =	shalt  }
0x5e: {  	_ =	shalt  }
0x5f: {  	_ =	shalt  }
0x60: {  	_ =	shalt  }
0x61: {  	_ =	shalt  }
0x62: {  	_ =	shalt  }
0x63: {  	_ =	shalt  }
0x64: {  	_ =	shalt  }
0x65: {  	_ =	shalt  }
0x66: {  	_ =	shalt  }
0x67: {  	_ =	shalt  }
0x68: {  	_ =	shalt  }
0x69: {  	_ =	shalt  }
0x6a: {  	_ =	shalt  }
0x6b: {  	_ =	shalt  }
0x6c: {  	_ =	shalt  }
0x6d: {  	_ =	shalt  }
0x6e: {  	_ =	shalt  }
0x6f: {  	_ =	shalt  }
0x70: {  	_ =	shalt  }
0x71: {  	_ =	shalt  }
0x72: {  	_ =	shalt  }
0x73: {  	_ =	shalt  }
0x74: {  	_ =	shalt  }
0x75: {  	_ =	shalt  }
0x76: {  	_ =	shalt  }
0x77: {  	_ =	shalt  }
0x78: {  	_ =	shalt  }
0x79: {  	_ =	shalt  }
0x7a: {  	_ =	shalt  }
0x7b: {  	_ =	shalt  }
0x7c: {  	_ =	shalt  }
0x7d: {  	_ =	shalt  }
0x7e: {  	_ =	shalt  }
0x7f: {  	_ =	shalt  }
0x80: {  	_ =	shalt  }
0x81: {  	_ =	shalt  }
0x82: {  	_ =	shalt  }
0x83: {  	_ =	shalt  }
0x84: {  	_ =	shalt  }
0x85: {  	_ =	shalt  }
0x86: {  	_ =	shalt  }
0x87: {  	_ =	shalt  }
.Lfunc_end0:
.L_simem_size_0:
called_computation.2_lowered:
.L_overlay_start_0:
0x88: {  	s2 =	sld [smem:$0x3FD9]  }
0x89: {  	s3 =	sld [smem:$0x3FFE];
	_ =	sdelay $0x1  }
0x8a: {  	s1 =	srdreg.scid  }
0x8b: {  	s0 =	sand.u32 $0x1, s1  }
0x8c: {  	s17 =	sshll.u32 s0, $0xA;
	s2 =	sadd.s32 s3, s2  }
0x8d: {  	s2 =	sadd.s32 s2, s17  }
0x8e: {  	[smem:$0x3FC2] =	sst s2  }
0x8f: {  	_ = 	snop  }
0x90: {  	s2 =	sld [smem:$0x3FD0];
	(tm) =	ssettm $0x1  }
0x91: {  	s18 =	sld [smem:$0x3FFB];
	_ =	sdelay $0x3  }
0x92: {  	_ =	strace s18  }
0x93: {  	s3 =	sld [smem:$0x3FFC];
	_ =	sdelay $0x3  }
0x94: {  	_ =	strace s3  }
0x95: {  	s3 =	sld [smem:$0x3FFD];
	_ =	sdelay $0x3  }
0x96: {  	_ =	strace s3  }
0x97: {  	_ =	strace $0x8FFFFFFF  }
0x98: {  	s19 =	sld [smem:$0x3FDB];
	_ =	sdelay $0x1  }
0x99: {  	s4 =	simm.s32 $_scs_section_size  }
0x9a: {  	s5 =	simm.s32 $_size__tile_overlayer_lowered;
	s6 =	simm.s32 $_tile_overlayer_lowered  }
0x9b: {  	s22 =	simm.s32 $0x1BFF;
	s21 =	sshll.u32 s6, $0x1;
	s3 =	sadd.s32 s4, s19  }
0x9c: {  	s7 =	simm.s32 $0x0;
	s20 =	sshll.u32 s5, $0x1;
	s5 =	sadd.s32 s21, s3  }
0x9d: {  	[timem:s7], [sflag:s22] =	dma.local [hbm:s5], s20  }
0x9e: {  	_ =	swait.ge [sflag:s22], s20  }
0x9f: {  	s4 =	ssub.s32 $0x0, s20;
	[sflag:s22] =	ssyncset.done $0x0  }
0xa0: {  	[sflag:s22] =	ssyncadd.s32 s4;
	_ =	sdelay $0x1  }
0xa1: {  	s23 =	simm.s32 $0x1B8B  }
0xa2: {  	_ =	swait.ge [sflag:s23], $0x1  }
0xa3: {  	[sflag:s23] =	ssyncset.done $0x0  }
0xa4: {  	s25 =	simm.s32 $0x1B8E;
	s24 =	sld [smem:$0x3FFE];
	[sflag:s23] =	ssyncadd.s32 $0xFFFFFFFF  }
0xa5: {  	s26 =	simm.s32 $execute0_lowered;
	[smem:$0x3FD2] =	sst s25  }
0xa6: {  	s5 =	sshll.u32 s26, $0x1;
	_ =	strace $0x8000004C;
	[dreg:$0x1] =	wrdreg $0xFFFFFFFF  }
0xa7: {  	s28 =	simm.s32 $_size_execute0_lowered;
	s3 =	sadd.s32 s3, s5;
	[dreg:$0x0] =	wrdreg $0x0  }
0xa8: {  	s5 =	sshll.u32 s28, $0x1;
	[dreg:$0x2] =	wrdreg s3  }
0xa9: {  	[dreg:$0x3] =	wrdreg s5  }
0xaa: {  	[dreg:$0x4] =	wrdreg $0xC0  }
0xab: {  	_ =	task [dreg:s7], $0x5FFFF  }
0xac: {  	[dreg:$0x1] =	wrdreg $0xFFFFFFFF  }
0xad: {  	[dreg:$0x0] =	wrdreg $0x60  }
0xae: {  	[dreg:$0x2] =	wrdreg s2  }
0xaf: {  	[dreg:$0x3] =	wrdreg s24  }
0xb0: {  	[dreg:$0x4] =	wrdreg $0xCD000  }
0xb1: {  	[dreg:$0x5] =	wrdreg $0x9  }
0xb2: {  	_ =	task.clear_ibuf [dreg:s7], $0x6FFFF;
	_ =	strace $0x9000004C  }
0xb3: {  	s29 =	simm.s32 $0x9;
	_ =	strace $0x8000004E  }
0xb4: {  	_ =	swait.ge [sflag:s29], $0x1  }
0xb5: {  	[sflag:s29] =	ssyncadd.s32 $0xFFFFFFFF  }
0xb6: {  	_ =	strace $0x9000004E  }
0xb7: {  	_ =	sfence  }
0xb8: {  	s30 =	sld [smem:$0x0];
	_ =	sdelay $0x2  }
0xb9: {  	s31 =	sshll.u32 s1, $0xD;
	s1 =	sshrl.u32 s1, $0x2  }
0xba: {  	s3 =	sand.u32 $0x4000, s31;
	s1 =	sadd.s32 s1, s30  }
0xbb: {  	s0 =	sor.u32 s3, s0;
	s1 =	sshll.u32 s1, $0x11  }
0xbc: {  	s0 =	sor.u32 s1, s0  }
0xbd: {  	s0 =	sadd.s32 $0x8F2B, s0  }
0xbe: {  	[sflag:s0] =	ssyncadd.remote.s32 $0x1  }
0xbf: {  	_ =	sfence.sel $0xFFFF  }
0xc0: {  	[dreg:$0x0] =	wrdreg $0xFFFFFFFF;
	(pc) =	sbr.abs _section_cstart, $3  }
0xc1: {  	[dreg:$0x1] =	wrdreg $0xFFFFFFFF  }
0xc2: {  	_ =	task.clear_ibuf [dreg:s7], $0x2FFFF;
	_ =	strace $0x9FFFFFFF  }
0xc3: {  	(tm) =	ssettm $0x7FFFFFFF  }
tec
execute0_lowered:
.L_overlay_start_1:
0x0: {  	(tag) =	ssettag $0x1  }
0x1: {  	s1 =	rddreg [dreg:$0x0]  }
0x2: {  	s0 =	srdreg.scid;
	s5 =	rddreg [dreg:$0x1]  }
0x3: {  	s11 =	stileid.u32;
	s3 =	rddreg [dreg:$0x2]  }
0x4: {  	s4 =	simm.s32 $0x0;
	s12 =	simm.s32 $0x5;
	s14 =	simm.s32 $0x7D  }
0x5: {  	s15 =	simm.s32 $0x5000;
	s16 =	simm.s32 $0x80;
	s17 =	simm.s32 $0x6F40  }
0x6: {  	s18 =	simm.s32 $0x100;
	s19 =	simm.s32 $0x8E80;
	s20 =	simm.s32 $0x180  }
0x7: {  	s21 =	simm.s32 $0xADC0;
	s22 =	simm.s32 $0x1;
	s23 =	simm.s32 $0x2  }
0x8: {  	s28 =	simm.s32 $0x4E80;
	s29 =	simm.s32 $0x4F00;
	s30 =	simm.s32 $0x4F80  }
0x9: {  	s31 =	simm.s32 $0x0;
	s0 =	sand.u32 $0x1, s0;
	s6 =	smul.u32 $0xA000, s11  }
0xa: {  	[smem:$0x7FF] =	sst s4;
	s7 =	smul.u32 $0x1400, s11;
	s25 =	sshll.u32 s11, $0x6  }
0xb: {  	s2 =	sshll.u32 s0, $0x4;
	_ =	strace $0x8000004D;
	s8 =	smul.u32 $0x14000, s0  }
0xc: {  	s0 =	ssub.s32 $0x2, s0;
	s2 =	sor.u32 s11, s2;
	s9 =	sshrl.u32 s6, $0x3  }
0xd: {  	s24 =	sshrl.u32 s0, $0x1;
	s26 =	sadd.s32 s6, s3;
	s6 =	sor.u32 $0x1C05, s25  }
0xe: {  	s25 =	simm.s32 $0x4;
	s2 =	smul.u32 $0x500, s2;
	s9 =	sadd.s32 s9, s5  }
0xf: {  	s7 =	sadd.s32 s7, s8;
	s0 =	ssub.s32 s0, s24;
	s11 =	sshrl.u32 s26, $0x3  }
0x10: {  	s24 =	simm.s32 $0x3;
	s26 =	simm.s32 $0x4E00;
	s10 =	sadd.s32 s7, s5  }
0x11: {  	s2 =	sadd.s32 s2, s5;
	s5 =	sadd.s32 $0x3000, s9;
	s9 =	sadd.s32 $0x44200, s10  }
0x12: {  	s10 =	smax.u32 s0, $0x1;
	s7 =	sadd.s32 $0x3A200, s2;
	s8 =	sadd.s32 $0x30200, s2  }
.LBB2_1:
0x13: {  	[spmem:s11], [sflag:s6] =	dma.local [hbm:s5], $0x1400  }
0x14: {  	_ =	swait.ge [sflag:s12], $0x1400  }
0x15: {  	[sflag:s12] =	ssyncset.done $0x0  }
0x16: {  	[sflag:s12] =	ssyncadd.s32 $0xFFFFEC00  }
0x17: {  	[tilespmem:s4], [sflag:$0x5] =	stream.linear.gather [hbm4b:s7+s4], $0x2800, $0x38;
	[tilespmem:$0x16D00] =	vst v63  }
0x18: {  	_ =	swait.ge [sflag:s12], $0x2800  }
0x19: {  	[sflag:s12] =	ssyncset.done $0x0  }
0x1a: {  	s0 =	simm.s32 $0x2800;
	[sflag:s12] =	ssyncadd.s32 $0xFFFFD800  }
0x1b: {  	[tilespmem:s0], [sflag:$0x5] =	stream.linear.gather [hbm4b:s8+s4], $0x2800, $0x38;
	[tilespmem:$0x16D00] =	vst v63  }
0x1c: {  	_ =	swait.ge [sflag:s12], $0x2800  }
0x1d: {  	[sflag:s12] =	ssyncset.done $0x0  }
0x1e: {  	[sflag:s12] =	ssyncadd.s32 $0xFFFFD800  }
0x1f: {  	[bflag:$0x0] =	sbarrier.arrive $0xFFFF  }
0x20: {  	[tilespmem:s15], [sflag:$0x1] =	stream.indirect.gather [hbm4b:s1+s14], $0x40, s4, s14, $0xb8;
	[tilespmem:$0x16D00] =	vst v63  }
0x21: {  	_ = 	snop  }
0x22: {  	[tilespmem:s17], [sflag:$0x2] =	stream.indirect.gather [hbm4b:s1+s14], $0x40, s16, s14, $0xb8;
	[tilespmem:$0x16D00] =	vst v63  }
0x23: {  	_ = 	snop  }
0x24: {  	[tilespmem:s19], [sflag:$0x3] =	stream.indirect.gather [hbm4b:s1+s14], $0x40, s18, s14, $0xb8;
	[tilespmem:$0x16D00] =	vst v63  }
0x25: {  	_ = 	snop  }
0x26: {  	[tilespmem:s21], [sflag:$0x4] =	stream.indirect.gather [hbm4b:s1+s14], $0x40, s20, s14, $0xb8;
	[tilespmem:$0x16D00] =	vst v63  }
0x27: {  	_ =	swait.ge [sflag:s22], $0x1F40  }
0x28: {  	[sflag:s22] =	ssyncset.done $0x0  }
0x29: {  	s13 =	simm.s32 $0x2800;
	[sflag:s22] =	ssyncadd.s32 $0xFFFFE0C0  }
0x2a: {  	[spmem:s3] =	stream.indirect.scatter.add.f32 [tilespmem:s15], [sflag:$0x5], $0x40, s13, s14, $0xb8;
	[tilespmem:$0x16D00] =	vst v63  }
0x2b: {  	_ =	swait.ge [sflag:s12], $0x1F40  }
0x2c: {  	[sflag:s12] =	ssyncset.done $0x0  }
0x2d: {  	s2 =	simm.s32 $0x200;
	[sflag:s12] =	ssyncadd.s32 $0xFFFFE0C0  }
0x2e: {  	[tilespmem:s15], [sflag:$0x1] =	stream.indirect.gather [hbm4b:s1+s14], $0x40, s2, s14, $0xb8;
	[tilespmem:$0x16D00] =	vst v63  }
0x2f: {  	_ =	swait.ge [sflag:s23], $0x1F40  }
0x30: {  	[sflag:s23] =	ssyncset.done $0x0  }
0x31: {  	s13 =	simm.s32 $0x2880;
	[sflag:s23] =	ssyncadd.s32 $0xFFFFE0C0  }
0x32: {  	[spmem:s3] =	stream.indirect.scatter.add.f32 [tilespmem:s17], [sflag:$0x5], $0x40, s13, s14, $0xb8;
	[tilespmem:$0x16D00] =	vst v63  }
0x33: {  	_ =	swait.ge [sflag:s12], $0x1F40  }
0x34: {  	[sflag:s12] =	ssyncset.done $0x0  }
0x35: {  	s2 =	simm.s32 $0x280;
	[sflag:s12] =	ssyncadd.s32 $0xFFFFE0C0  }
0x36: {  	[tilespmem:s17], [sflag:$0x2] =	stream.indirect.gather [hbm4b:s1+s14], $0x40, s2, s14, $0xb8;
	[tilespmem:$0x16D00] =	vst v63  }
0x37: {  	_ =	swait.ge [sflag:s24], $0x1F40  }
0x38: {  	[sflag:s24] =	ssyncset.done $0x0  }
0x39: {  	s13 =	simm.s32 $0x2900;
	[sflag:s24] =	ssyncadd.s32 $0xFFFFE0C0  }
0x3a: {  	[spmem:s3] =	stream.indirect.scatter.add.f32 [tilespmem:s19], [sflag:$0x5], $0x40, s13, s14, $0xb8;
	[tilespmem:$0x16D00] =	vst v63  }
0x3b: {  	_ =	swait.ge [sflag:s12], $0x1F40  }
0x3c: {  	[sflag:s12] =	ssyncset.done $0x0  }
0x3d: {  	s2 =	simm.s32 $0x300;
	[sflag:s12] =	ssyncadd.s32 $0xFFFFE0C0  }
0x3e: {  	[tilespmem:s19], [sflag:$0x3] =	stream.indirect.gather [hbm4b:s1+s14], $0x40, s2, s14, $0xb8;
	[tilespmem:$0x16D00] =	vst v63  }
0x3f: {  	_ =	swait.ge [sflag:s25], $0x1F40  }
0x40: {  	[sflag:s25] =	ssyncset.done $0x0  }
0x41: {  	s13 =	simm.s32 $0x2980;
	[sflag:s25] =	ssyncadd.s32 $0xFFFFE0C0  }
0x42: {  	[spmem:s3] =	stream.indirect.scatter.add.f32 [tilespmem:s21], [sflag:$0x5], $0x40, s13, s14, $0xb8;
	[tilespmem:$0x16D00] =	vst v63  }
0x43: {  	_ =	swait.ge [sflag:s12], $0x1F40  }
0x44: {  	[sflag:s12] =	ssyncset.done $0x0  }
0x45: {  	s0 =	simm.s32 $0x380;
	s2 =	simm.s32 $0x800;
	[sflag:s12] =	ssyncadd.s32 $0xFFFFE0C0  }
.LBB2_2:
0x46: {  	[tilespmem:s21], [sflag:$0x4] =	stream.indirect.gather [hbm4b:s1+s14], $0x40, s0, s14, $0xb8;
	[tilespmem:$0x16D00] =	vst v63  }
0x47: {  	s0 =	smov.u32 s2  }
0x48: {  	p0 =	sne.s32 s2, $0x9000;
	s2 =	sadd.s32 $0x800, s2;
	_ =	swait.ge [sflag:s22], $0x1F40  }
0x49: {  	s0 =	sshra.s32 s0, $0x2;
	[sflag:s22] =	ssyncset.done $0x0  }
0x4a: {  	s13 =	sadd.s32 $0x2800, s0;
	[sflag:s22] =	ssyncadd.s32 $0xFFFFE0C0  }
0x4b: {  	[spmem:s3] =	stream.indirect.scatter.add.f32 [tilespmem:s15], [sflag:$0x5], $0x40, s13, s14, $0xb8;
	[tilespmem:$0x16D00] =	vst v63  }
0x4c: {  	_ =	swait.ge [sflag:s12], $0x1F40  }
0x4d: {  	[sflag:s12] =	ssyncset.done $0x0  }
0x4e: {  	s13 =	sadd.s32 $0x200, s0;
	[sflag:s12] =	ssyncadd.s32 $0xFFFFE0C0  }
0x4f: {  	[tilespmem:s15], [sflag:$0x1] =	stream.indirect.gather [hbm4b:s1+s14], $0x40, s13, s14, $0xb8;
	[tilespmem:$0x16D00] =	vst v63  }
0x50: {  	_ =	swait.ge [sflag:s23], $0x1F40  }
0x51: {  	[sflag:s23] =	ssyncset.done $0x0  }
0x52: {  	s13 =	sadd.s32 $0x2880, s0;
	[sflag:s23] =	ssyncadd.s32 $0xFFFFE0C0  }
0x53: {  	[spmem:s3] =	stream.indirect.scatter.add.f32 [tilespmem:s17], [sflag:$0x5], $0x40, s13, s14, $0xb8;
	[tilespmem:$0x16D00] =	vst v63  }
0x54: {  	_ =	swait.ge [sflag:s12], $0x1F40  }
0x55: {  	[sflag:s12] =	ssyncset.done $0x0  }
0x56: {  	s13 =	sadd.s32 $0x280, s0;
	[sflag:s12] =	ssyncadd.s32 $0xFFFFE0C0  }
0x57: {  	[tilespmem:s17], [sflag:$0x2] =	stream.indirect.gather [hbm4b:s1+s14], $0x40, s13, s14, $0xb8;
	[tilespmem:$0x16D00] =	vst v63  }
0x58: {  	_ =	swait.ge [sflag:s24], $0x1F40  }
0x59: {  	[sflag:s24] =	ssyncset.done $0x0  }
0x5a: {  	s13 =	sadd.s32 $0x2900, s0;
	[sflag:s24] =	ssyncadd.s32 $0xFFFFE0C0  }
0x5b: {  	[spmem:s3] =	stream.indirect.scatter.add.f32 [tilespmem:s19], [sflag:$0x5], $0x40, s13, s14, $0xb8;
	[tilespmem:$0x16D00] =	vst v63  }
0x5c: {  	_ =	swait.ge [sflag:s12], $0x1F40  }
0x5d: {  	[sflag:s12] =	ssyncset.done $0x0  }
0x5e: {  	s13 =	sadd.s32 $0x300, s0;
	[sflag:s12] =	ssyncadd.s32 $0xFFFFE0C0  }
0x5f: {  	[tilespmem:s19], [sflag:$0x3] =	stream.indirect.gather [hbm4b:s1+s14], $0x40, s13, s14, $0xb8;
	[tilespmem:$0x16D00] =	vst v63  }
0x60: {  	_ =	swait.ge [sflag:s25], $0x1F40  }
0x61: {  	[sflag:s25] =	ssyncset.done $0x0  }
.Ltmp0:
0x62: {  	s13 =	sadd.s32 $0x2980, s0;
	[sflag:s25] =	ssyncadd.s32 $0xFFFFE0C0;
	(pc) =	sbr.rel @p0 .LBB2_2-.Ltmp0, $4  }
0x63: {  	[spmem:s3] =	stream.indirect.scatter.add.f32 [tilespmem:s21], [sflag:$0x5], $0x40, s13, s14, $0xb8;
	[tilespmem:$0x16D00] =	vst v63  }
0x64: {  	_ =	swait.ge [sflag:s12], $0x1F40  }
0x65: {  	[sflag:s12] =	ssyncset.done $0x0  }
0x66: {  	s0 =	sadd.s32 $0x380, s0;
	[sflag:s12] =	ssyncadd.s32 $0xFFFFE0C0  }
0x67: {  	[tilespmem:s21], [sflag:$0x4] =	stream.indirect.gather [hbm4b:s1+s14], $0x40, s0, s14, $0xb8;
	[tilespmem:$0x16D00] =	vst v63  }
0x68: {  	_ =	swait.ge [sflag:s22], $0x1F40  }
0x69: {  	[sflag:s22] =	ssyncset.done $0x0  }
0x6a: {  	[sflag:s22] =	ssyncadd.s32 $0xFFFFE0C0  }
0x6b: {  	[spmem:s3] =	stream.indirect.scatter.add.f32 [tilespmem:s15], [sflag:$0x5], $0x40, s26, s14, $0xb8;
	[tilespmem:$0x16D00] =	vst v63  }
0x6c: {  	_ =	swait.ge [sflag:s12], $0x1F40  }
0x6d: {  	[sflag:s12] =	ssyncset.done $0x0  }
0x6e: {  	[sflag:s12] =	ssyncadd.s32 $0xFFFFE0C0  }
0x6f: {  	_ =	swait.ge [sflag:s23], $0x1F40  }
0x70: {  	[sflag:s23] =	ssyncset.done $0x0  }
0x71: {  	[sflag:s23] =	ssyncadd.s32 $0xFFFFE0C0  }
0x72: {  	[spmem:s3] =	stream.indirect.scatter.add.f32 [tilespmem:s17], [sflag:$0x5], $0x40, s28, s14, $0xb8;
	[tilespmem:$0x16D00] =	vst v63  }
0x73: {  	_ =	swait.ge [sflag:s12], $0x1F40  }
0x74: {  	[sflag:s12] =	ssyncset.done $0x0  }
0x75: {  	[sflag:s12] =	ssyncadd.s32 $0xFFFFE0C0  }
0x76: {  	_ =	swait.ge [sflag:s24], $0x1F40  }
0x77: {  	[sflag:s24] =	ssyncset.done $0x0  }
0x78: {  	[sflag:s24] =	ssyncadd.s32 $0xFFFFE0C0  }
0x79: {  	[spmem:s3] =	stream.indirect.scatter.add.f32 [tilespmem:s19], [sflag:$0x5], $0x40, s29, s14, $0xb8;
	[tilespmem:$0x16D00] =	vst v63  }
0x7a: {  	_ =	swait.ge [sflag:s12], $0x1F40  }
0x7b: {  	[sflag:s12] =	ssyncset.done $0x0  }
0x7c: {  	[sflag:s12] =	ssyncadd.s32 $0xFFFFE0C0  }
0x7d: {  	_ =	swait.ge [sflag:s25], $0x1F40  }
0x7e: {  	[sflag:s25] =	ssyncset.done $0x0  }
0x7f: {  	[sflag:s25] =	ssyncadd.s32 $0xFFFFE0C0  }
0x80: {  	[spmem:s3] =	stream.indirect.scatter.add.f32 [tilespmem:s21], [sflag:$0x5], $0x40, s30, s14, $0xb8;
	[tilespmem:$0x16D00] =	vst v63  }
0x81: {  	_ =	swait.ge [sflag:s12], $0x1F40  }
0x82: {  	s31 =	sadd.s32 $0x1, s31;
	[sflag:s12] =	ssyncset.done $0x0  }
0x83: {  	p0 =	sne.s32 s31, s10;
	[sflag:s12] =	ssyncadd.s32 $0xFFFFE0C0  }
.Ltmp1:
0x84: {  	[bflag:$0x0] =	sbarrier.arrive $0xFFFF;
	(pc) =	sbr.rel @p0 .LBB2_1-.Ltmp1, $4  }
0x85: {  	[hbm:s9], [sflag:s6] =	dma.local [spmem:s11], $0x1400  }
0x86: {  	_ =	swait.ge [sflag:s12], $0x1400  }
0x87: {  	[sflag:s12] =	ssyncset.done $0x0  }
0x88: {  	[sflag:s12] =	ssyncadd.s32 $0xFFFFEC00  }
0x89: {  	_ =	sfence.sel $0x180000  }
0x8a: {  	[bflag:$0x0] =	sbarrier.arrive $0xFFFF  }
0x8b: {  	_ =	strace $0x9000004D  }
0x8c: {  	s0 =	stileid.u32;
	[bflag:$0x2] =	sbarrier.arrive $0xFFFF  }
0x8d: {  	p0 =	sne.s32 s0, $0x0;
	s0 =	rddreg [dreg:$0x3]  }
0x8e: {  	s0 =	sadd.s32 @!p0 $0x100000, s0  }
0x8f: {  	[sflag:s0] =	ssyncadd.tile.s32 @!p0 $0x1;
	_ =	shalt  }
.Lfunc_end2:
_tile_overlayer_lowered:
.L_overlay_start_2:
0x90: {  	(tag) =	ssettag $0x2  }
0x91: {  	s0 =	rddreg [dreg:$0x0];
	s2 =	stileid.u32  }
0x92: {  	s1 =	rddreg [dreg:$0x1];
	p0 =	sne.s32 s2, $0x0  }
0x93: {  	s3 =	rddreg [dreg:$0x2];
	[bflag:$0x3] =	sbarrier.arrive $0xFFFF;
	s2 =	simm.s32 @!p0 $0x1C05  }
0x94: {  	[timem:s3], [sflag:s2] =	dma.local @!p0 [hbm:s0], s1  }
0x95: {  	s0 =	simm.s32 @!p0 $0x5  }
0x96: {  	_ =	swait.ge @!p0 [sflag:s0], s1  }
0x97: {  	s1 =	ssub.s32 @!p0 $0x0, s1;
	[sflag:s0] =	ssyncset.done @!p0 $0x0  }
0x98: {  	[sflag:s0] =	ssyncadd.s32 @!p0 s1  }
0x99: {  	[bflag:$0x3] =	sbarrier.arrive $0xFFFF  }
0x9a: {  	_ =	shalt  }

// kernel: kernel.9.cloned.1.call-start
scs
__scs_entry_jumppad:
0x0: {  	(pc) =	sbr.rel $0x88, $3  }
0x1: {  	(tag) =	ssettag $0x0;
	lr =	simm.s32 $0x1  }
0x2: {  	[smem:$0x3F9B] =	sst lr;
	_ =	strace $0xD0000000  }
0x3: {  	_ = 	snop  }
0x4: {  	_ = 	snop  }
0x5: {  	_ = 	snop  }
0x6: {  	_ = 	snop  }
0x7: {  	_ = 	snop  }
__scs_overlays_trampoline_lowered:
0x8: {  	[smem:$0x3FAA] =	sst s0  }
0x9: {  	[smem:$0x3FAB] =	sst s1  }
0xa: {  	[smem:$0x3FAC] =	sst s2  }
0xb: {  	[smem:$0x3FAD] =	sst s3  }
0xc: {  	[smem:$0x3FAE] =	sst s4  }
0xd: {  	[smem:$0x3FAF] =	sst s5  }
0xe: {  	[smem:$0x3FB0] =	sst s6  }
0xf: {  	[smem:$0x3FB1] =	sst s7  }
0x10: {  	[smem:$0x3FB2] =	sst s8  }
0x11: {  	[smem:$0x3FB3] =	sst s9;
	s0 =	simm.s32 @!p0 $0x0  }
0x12: {  	s1 =	sld [smem:$0x3F99];
	s0 =	simm.s32 @p0 $0x1  }
0x13: {  	[smem:$0x3FB4] =	sst s0;
	s0 =	simm.s32 @!p1 $0x0  }
0x14: {  	s2 =	sld [smem:$0x3F98];
	s0 =	simm.s32 @p1 $0x1  }
0x15: {  	[smem:$0x3FB5] =	sst s0;
	s0 =	simm.s32 @!p2 $0x0  }
0x16: {  	s3 =	sld [smem:$0x3FDB];
	s0 =	simm.s32 @p2 $0x1  }
0x17: {  	s4 =	simm.s32 $0x1BF5;
	[smem:$0x3FB7] =	sst s0  }
0x18: {  	s0 =	sld [smem:$0x3F9A];
	_ =	swait.ge [sflag:s4], $0x0  }
0x19: {  	s7 =	sld [smem:$0x3F9B]  }
0x1a: {  	s8 =	sadd.s32 $0xFFFFE003, lr  }
0x1b: {  	s9 =	sadd.s32 $0xFFFFFEF7, lr;
	s5 =	simm.s32 $0xFFFFFFFF;
	p2 =	slt.u32 s8, $0xFFFFF086  }
0x1c: {  	p1 =	slt.u32 s9, $0xF7A;
	s5 =	simm.s32 @!p2 $0x0  }
0x1d: {  	s5 =	simm.s32 @p1 $0x1;
	p0 =	seq.s32 s7, s2  }
0x1e: {  	s7 =	smul.u32 @!p0 $0xF7A, s2;
	p2 =	seq.s32 @!p0 s5, $0x0  }
0x1f: {  	s9 =	smul.u32 $0xF7A, s1;
	s8 =	simm.s32 @!p0 $0x1BF5;
	p2 =	por !p2, p0  }
0x20: {  	[sflag:s8] =	ssyncset.s32 @!p0 $0xFFFFF086;
	s6 =	sadd.s32 @!p0 s3, s7;
	s7 =	simm.s32 @!p0 $0x108  }
0x21: {  	s3 =	sadd.s32 s3, s9;
	s6 =	sadd.s32 @!p0 $0x88, s6;
	s7 =	simm.s32 @p2 $0x1082  }
0x22: {  	[simem:s7], [sflag:s8] =	dma.local @!p0 [hbm:s6], $0xF7A  }
0x23: {  	s9 =	sor.u32 $0xD0000000, s2;
	s6 =	simm.s32 $0x108;
	_ =	swait.ge @!p0 [sflag:s8], $0x0  }
0x24: {  	s3 =	sadd.s32 $0x88, s3;
	s6 =	simm.s32 @!p1 $0x1082;
	[sflag:s4] =	ssyncset.s32 $0xFFFFF086  }
0x25: {  	[simem:s6], [sflag:s4] =	dma.local [hbm:s3], $0xF7A  }
0x26: {  	[smem:$0x3F9B] =	sst s1;
	(tag) =	ssettag s2;
	_ =	strace s9  }
0x27: {  	s1 =	sld [smem:$0x3FAB]  }
0x28: {  	s2 =	sld [smem:$0x3FAC]  }
0x29: {  	s4 =	sld [smem:$0x3FAE]  }
0x2a: {  	p0 =	seq.s32 s5, $0x0;
	s5 =	sld [smem:$0x3FAF]  }
0x2b: {  	s6 =	sld [smem:$0x3FB0]  }
0x2c: {  	s7 =	sld [smem:$0x3FB1]  }
0x2d: {  	s3 =	simm.s32 $0x108;
	s8 =	sld [smem:$0x3FB2]  }
0x2e: {  	s3 =	simm.s32 @!p0 $0x1082;
	s9 =	sld [smem:$0x3FB3]  }
0x2f: {  	lr =	sadd.s32 s0, s3;
	s0 =	sld [smem:$0x3FAA]  }
0x30: {  	s3 =	sld [smem:$0x3FAD]  }
0x31: {  	[smem:$0x3FB6] =	sst s10  }
0x32: {  	s10 =	sld [smem:$0x3FB4];
	_ =	sdelay $0x3  }
0x33: {  	p0 =	seq.s32 s10, $0x1;
	s10 =	sld [smem:$0x3FB6];
	_ =	sdelay $0x3  }
0x34: {  	[smem:$0x3FB6] =	sst s10  }
0x35: {  	s10 =	sld [smem:$0x3FB5];
	_ =	sdelay $0x3  }
0x36: {  	p1 =	seq.s32 s10, $0x1;
	s10 =	sld [smem:$0x3FB6];
	_ =	sdelay $0x3  }
0x37: {  	[smem:$0x3FB6] =	sst s10  }
0x38: {  	s10 =	sld [smem:$0x3FB7]  }
0x39: {  	_ = 	snop;
	(pc) =	sbr.ind lr, $3  }
0x3a: {  	_ = 	snop  }
0x3b: {  	_ = 	snop  }
0x3c: {  	p2 =	seq.s32 s10, $0x1;
	s10 =	sld [smem:$0x3FB6]  }
0x3d: {  	_ =	shalt  }
0x3e: {  	_ =	shalt  }
0x3f: {  	_ =	shalt  }
0x40: {  	_ =	shalt  }
0x41: {  	_ =	shalt  }
0x42: {  	_ =	shalt  }
0x43: {  	_ =	shalt  }
0x44: {  	_ =	shalt  }
0x45: {  	_ =	shalt  }
0x46: {  	_ =	shalt  }
0x47: {  	_ =	shalt  }
0x48: {  	_ =	shalt  }
0x49: {  	_ =	shalt  }
0x4a: {  	_ =	shalt  }
0x4b: {  	_ =	shalt  }
0x4c: {  	_ =	shalt  }
0x4d: {  	_ =	shalt  }
0x4e: {  	_ =	shalt  }
0x4f: {  	_ =	shalt  }
0x50: {  	_ =	shalt  }
0x51: {  	_ =	shalt  }
0x52: {  	_ =	shalt  }
0x53: {  	_ =	shalt  }
0x54: {  	_ =	shalt  }
0x55: {  	_ =	shalt  }
0x56: {  	_ =	shalt  }
0x57: {  	_ =	shalt  }
0x58: {  	_ =	shalt  }
0x59: {  	_ =	shalt  }
0x5a: {  	_ =	shalt  }
0x5b: {  	_ =	shalt  }
0x5c: {  	_ =	shalt  }
0x5d: {  	_ =	shalt  }
0x5e: {  	_ =	shalt  }
0x5f: {  	_ =	shalt  }
0x60: {  	_ =	shalt  }
0x61: {  	_ =	shalt  }
0x62: {  	_ =	shalt  }
0x63: {  	_ =	shalt  }
0x64: {  	_ =	shalt  }
0x65: {  	_ =	shalt  }
0x66: {  	_ =	shalt  }
0x67: {  	_ =	shalt  }
0x68: {  	_ =	shalt  }
0x69: {  	_ =	shalt  }
0x6a: {  	_ =	shalt  }
0x6b: {  	_ =	shalt  }
0x6c: {  	_ =	shalt  }
0x6d: {  	_ =	shalt  }
0x6e: {  	_ =	shalt  }
0x6f: {  	_ =	shalt  }
0x70: {  	_ =	shalt  }
0x71: {  	_ =	shalt  }
0x72: {  	_ =	shalt  }
0x73: {  	_ =	shalt  }
0x74: {  	_ =	shalt  }
0x75: {  	_ =	shalt  }
0x76: {  	_ =	shalt  }
0x77: {  	_ =	shalt  }
0x78: {  	_ =	shalt  }
0x79: {  	_ =	shalt  }
0x7a: {  	_ =	shalt  }
0x7b: {  	_ =	shalt  }
0x7c: {  	_ =	shalt  }
0x7d: {  	_ =	shalt  }
0x7e: {  	_ =	shalt  }
0x7f: {  	_ =	shalt  }
0x80: {  	_ =	shalt  }
0x81: {  	_ =	shalt  }
0x82: {  	_ =	shalt  }
0x83: {  	_ =	shalt  }
0x84: {  	_ =	shalt  }
0x85: {  	_ =	shalt  }
0x86: {  	_ =	shalt  }
0x87: {  	_ =	shalt  }
.Lfunc_end0:
.L_simem_size_0:
called_computation_lowered:
.L_overlay_start_0:
0x88: {  	s2 =	sld [smem:$0x3FD9]  }
0x89: {  	s3 =	sld [smem:$0x3FFE];
	_ =	sdelay $0x1  }
0x8a: {  	s1 =	srdreg.scid  }
0x8b: {  	s0 =	sand.u32 $0x1, s1  }
0x8c: {  	s17 =	sshll.u32 s0, $0xA;
	s2 =	sadd.s32 s3, s2  }
0x8d: {  	s2 =	sadd.s32 s2, s17  }
0x8e: {  	[smem:$0x3FC2] =	sst s2  }
0x8f: {  	_ = 	snop  }
0x90: {  	s2 =	sld [smem:$0x3FD0];
	(tm) =	ssettm $0x1  }
0x91: {  	s18 =	sld [smem:$0x3FFB];
	_ =	sdelay $0x3  }
0x92: {  	_ =	strace s18  }
0x93: {  	s3 =	sld [smem:$0x3FFC];
	_ =	sdelay $0x3  }
0x94: {  	_ =	strace s3  }
0x95: {  	s3 =	sld [smem:$0x3FFD];
	_ =	sdelay $0x3  }
0x96: {  	_ =	strace s3  }
0x97: {  	_ =	strace $0x8FFFFFFF  }
0x98: {  	s19 =	sld [smem:$0x3FDB];
	_ =	sdelay $0x1  }
0x99: {  	s4 =	simm.s32 $_scs_section_size  }
0x9a: {  	s5 =	simm.s32 $_size__tile_overlayer_lowered;
	s6 =	simm.s32 $_tile_overlayer_lowered  }
0x9b: {  	s22 =	simm.s32 $0x1BFF;
	s21 =	sshll.u32 s6, $0x1;
	s3 =	sadd.s32 s4, s19  }
0x9c: {  	s7 =	simm.s32 $0x0;
	s20 =	sshll.u32 s5, $0x1;
	s5 =	sadd.s32 s21, s3  }
0x9d: {  	[timem:s7], [sflag:s22] =	dma.local [hbm:s5], s20  }
0x9e: {  	_ =	swait.ge [sflag:s22], s20  }
0x9f: {  	s4 =	ssub.s32 $0x0, s20;
	[sflag:s22] =	ssyncset.done $0x0  }
0xa0: {  	[sflag:s22] =	ssyncadd.s32 s4;
	_ =	sdelay $0x1  }
0xa1: {  	s23 =	simm.s32 $0x1B8B  }
0xa2: {  	_ =	swait.ge [sflag:s23], $0x1  }
0xa3: {  	[sflag:s23] =	ssyncset.done $0x0  }
0xa4: {  	s25 =	simm.s32 $0x1B8E;
	s24 =	sld [smem:$0x3FFE];
	[sflag:s23] =	ssyncadd.s32 $0xFFFFFFFF  }
0xa5: {  	s26 =	simm.s32 $execute0_lowered;
	[smem:$0x3FD2] =	sst s25  }
0xa6: {  	s5 =	sshll.u32 s26, $0x1;
	_ =	strace $0x80000046;
	[dreg:$0x1] =	wrdreg $0xFFFFFFFF  }
0xa7: {  	s28 =	simm.s32 $_size_execute0_lowered;
	s3 =	sadd.s32 s3, s5;
	[dreg:$0x0] =	wrdreg $0x0  }
0xa8: {  	s5 =	sshll.u32 s28, $0x1;
	[dreg:$0x2] =	wrdreg s3  }
0xa9: {  	[dreg:$0x3] =	wrdreg s5  }
0xaa: {  	[dreg:$0x4] =	wrdreg $0xC0  }
0xab: {  	_ =	task [dreg:s7], $0x5FFFF  }
0xac: {  	[dreg:$0x1] =	wrdreg $0xFFFFFFFF  }
0xad: {  	[dreg:$0x0] =	wrdreg $0x60  }
0xae: {  	[dreg:$0x2] =	wrdreg s2  }
0xaf: {  	[dreg:$0x3] =	wrdreg s24  }
0xb0: {  	[dreg:$0x4] =	wrdreg $0x2FD00  }
0xb1: {  	[dreg:$0x5] =	wrdreg $0x9  }
0xb2: {  	_ =	task.clear_ibuf [dreg:s7], $0x6FFFF;
	_ =	strace $0x90000046  }
0xb3: {  	s29 =	simm.s32 $0x9;
	_ =	strace $0x80000048  }
0xb4: {  	_ =	swait.ge [sflag:s29], $0x1  }
0xb5: {  	[sflag:s29] =	ssyncadd.s32 $0xFFFFFFFF  }
0xb6: {  	_ =	strace $0x90000048  }
0xb7: {  	_ =	sfence  }
0xb8: {  	s30 =	sld [smem:$0x0];
	_ =	sdelay $0x2  }
0xb9: {  	s31 =	sshll.u32 s1, $0xD;
	s1 =	sshrl.u32 s1, $0x2  }
0xba: {  	s3 =	sand.u32 $0x4000, s31;
	s1 =	sadd.s32 s1, s30  }
0xbb: {  	s0 =	sor.u32 s3, s0;
	s1 =	sshll.u32 s1, $0x11  }
0xbc: {  	s0 =	sor.u32 s1, s0  }
0xbd: {  	s0 =	sadd.s32 $0x8F2B, s0  }
0xbe: {  	[sflag:s0] =	ssyncadd.remote.s32 $0x1  }
0xbf: {  	_ =	sfence.sel $0xFFFF  }
0xc0: {  	[dreg:$0x0] =	wrdreg $0xFFFFFFFF;
	(pc) =	sbr.abs _section_cstart, $3  }
0xc1: {  	[dreg:$0x1] =	wrdreg $0xFFFFFFFF  }
0xc2: {  	_ =	task.clear_ibuf [dreg:s7], $0x2FFFF;
	_ =	strace $0x9FFFFFFF  }
0xc3: {  	(tm) =	ssettm $0x7FFFFFFF  }
tec
execute0_lowered:
.L_overlay_start_1:
0x0: {  	(tag) =	ssettag $0x1  }
0x1: {  	s7 =	rddreg [dreg:$0x0]  }
0x2: {  	s5 =	rddreg [dreg:$0x1]  }
0x3: {  	s2 =	rddreg [dreg:$0x2]  }
0x4: {  	s0 =	rddreg [dreg:$0x3];
	s3 =	simm.s32 $0x0;
	s1 =	stileid.u32  }
0x5: {  	s4 =	srdreg.scid;
	s15 =	simm.s32 $0x7D;
	s16 =	simm.s32 $0x57D0  }
0x6: {  	s17 =	simm.s32 $0x6BD0;
	s18 =	simm.s32 $0x7FD0;
	s6 =	smul.u32 $0x2800, s1  }
0x7: {  	s19 =	simm.s32 $0x0;
	[smem:$0x7FF] =	sst s3;
	s9 =	smul.u32 $0x1400, s1  }
0x8: {  	s8 =	sand.u32 $0x1, s4;
	s4 =	sadd.s32 $0x8000, s5;
	s29 =	smul.u32 $0x5000, s1  }
0x9: {  	s30 =	sshll.u32 s1, $0x6;
	_ =	strace $0x80000047;
	s11 =	smul.u32 $0x14000, s8  }
0xa: {  	s12 =	sshll.u32 s8, $0x4;
	s8 =	ssub.s32 $0x2, s8;
	s10 =	sshrl.u32 s6, $0x3  }
0xb: {  	s12 =	sor.u32 s1, s12;
	s28 =	sshrl.u32 s8, $0x1;
	s14 =	sadd.s32 s6, s2  }
0xc: {  	s6 =	sor.u32 $0x1C01, s30;
	s10 =	sadd.s32 s10, s5;
	s9 =	sadd.s32 s9, s11  }
0xd: {  	s25 =	smul.u32 $0x2800, s12;
	s13 =	ssub.s32 s8, s28;
	s12 =	sshrl.u32 s14, $0x3  }
0xe: {  	s14 =	simm.s32 $0x2800;
	s26 =	sadd.s32 s9, s5;
	s5 =	sadd.s32 $0x3000, s10  }
0xf: {  	s9 =	sshrl.u32 s29, $0x2;
	s11 =	smax.u32 s13, $0x1;
	s31 =	sshrl.u32 s25, $0x3  }
0x10: {  	s13 =	simm.s32 $0x1;
	s8 =	sadd.s32 s7, s31;
	s7 =	sadd.s32 s9, s2  }
0x11: {  	s10 =	sadd.s32 $0x8200, s26;
	s8 =	sadd.s32 $0xA000, s8;
	s9 =	sadd.s32 $0x14000, s7  }
.LBB2_1:
0x12: {  	[spmem:s12], [sflag:s6] =	dma.local [hbm:s5], $0x500  }
0x13: {  	_ =	swait.ge [sflag:s13], $0x500  }
0x14: {  	[sflag:s13] =	ssyncset.done $0x0  }
0x15: {  	[sflag:s13] =	ssyncadd.s32 $0xFFFFFB00  }
0x16: {  	[tilespmem:s3], [sflag:$0x1] =	stream.linear.gather [hbm4b:s8+s3], $0x2800, $0x38;
	[tilespmem:$0x11FD0] =	vst v63  }
0x17: {  	_ =	swait.ge [sflag:s13], $0x2800  }
0x18: {  	[sflag:s13] =	ssyncset.done $0x0  }
0x19: {  	[sflag:s13] =	ssyncadd.s32 $0xFFFFD800  }
0x1a: {  	[tilespmem:s14], [sflag:$0x1] =	stream.linear.gather [hbm4b:s4+s3], $0x7D0, $0x38;
	[tilespmem:$0x11FD0] =	vst v63  }
0x1b: {  	_ =	swait.ge [sflag:s13], $0x7D0  }
0x1c: {  	[sflag:s13] =	ssyncset.done $0x0  }
0x1d: {  	[sflag:s13] =	ssyncadd.s32 $0xFFFFF830  }
0x1e: {  	s20 =	simm.s32 $0x0;
	[bflag:$0x0] =	sbarrier.arrive $0xFFFF  }
0x1f: {  	[spmem:s2] =	stream.indirect.scatter.add.f32 [tilespmem:s14], [sflag:$0x1], $0x10, s20, s15, $0xb8;
	[tilespmem:$0x11FD0] =	vst v63  }
0x20: {  	_ =	swait.ge [sflag:s13], $0x7D0  }
0x21: {  	s20 =	simm.s32 $0x200;
	[sflag:s13] =	ssyncset.done $0x0  }
.LBB2_2:
0x22: {  	s21 =	sshra.s32 s20, $0x2;
	[sflag:s13] =	ssyncadd.s32 $0xFFFFF830;
	p0 =	sne.s32 s20, $0x9E00  }
0x23: {  	[spmem:s2] =	stream.indirect.scatter.add.f32 [tilespmem:s14], [sflag:$0x1], $0x10, s21, s15, $0xb8;
	[tilespmem:$0x11FD0] =	vst v63  }
.Ltmp0:
0x24: {  	_ = 	snop;
	(pc) =	sbr.rel @p0 .LBB2_2-.Ltmp0, $4  }
0x25: {  	_ = 	snop  }
0x26: {  	s20 =	sadd.s32 $0x200, s20  }
0x27: {  	_ =	swait.ge [sflag:s13], $0x7D0  }
0x28: {  	[sflag:s13] =	ssyncset.done $0x0  }
0x29: {  	[sflag:s13] =	ssyncadd.s32 $0xFFFFF830  }
0x2a: {  	[bflag:$0x0] =	sbarrier.arrive $0xFFFF  }
0x2b: {  	[tilespmem:s16], [sflag:$0x1] =	stream.linear.gather [spmem:s7], $0x1400, $0x38;
	[tilespmem:$0x11FD0] =	vst v63  }
0x2c: {  	_ =	swait.ge [sflag:s13], $0x1400  }
0x2d: {  	[sflag:s13] =	ssyncset.done $0x0  }
0x2e: {  	[sflag:s13] =	ssyncadd.s32 $0xFFFFEC00  }
0x2f: {  	[tilespmem:s17], [sflag:$0x1] =	stream.linear.gather [spmem:s9], $0x1400, $0x38;
	[tilespmem:$0x11FD0] =	vst v63  }
0x30: {  	_ =	swait.ge [sflag:s13], $0x1400  }
0x31: {  	[sflag:s13] =	ssyncset.done $0x0  }
0x32: {  	s22 =	simm.s32 $0x0;
	[sflag:s13] =	ssyncadd.s32 $0xFFFFEC00  }
0x33: {  	v1 =	vld [tilespmem:s22+$0x57D0]  }
0x34: {  	s20 =	simm.s32 $0x8010;
	s21 =	simm.s32 $0x40;
	v0 =	vld [tilespmem:s22+$0x6BD0];
	s22 =	simm.s32 $0x8010  }
.LBB2_4:
0x35: {  	_ =	sdelay $0x1  }
0x36: {  	p0 =	sne.s32 s21, $0x4FC0  }
0x37: {  	s22 =	sadd.s32 $0x80, s22;
	s23 =	smov.u32 s21;
	s21 =	sadd.s32 $0x40, s21;
	[tilespmem:s20+$0xFFFFFFC0] =	vst v1  }
0x38: {  	[tilespmem:s20+$0xFFFFFFF0] =	vst v1  }
0x39: {  	[tilespmem:s20+$0xFFFFFFE0] =	vst v1  }
0x3a: {  	[tilespmem:s20+$0xFFFFFFD0] =	vst v1  }
0x3b: {  	[tilespmem:s20+$0x30] =	vst v0  }
.Ltmp1:
0x3c: {  	[tilespmem:s20+$0x20] =	vst v0;
	(pc) =	sbr.rel @p0 .LBB2_4-.Ltmp1, $4  }
0x3d: {  	[tilespmem:s20+$0x0] =	vst v0  }
0x3e: {  	s23 =	sshra.s32 s23, $0x2;
	[tilespmem:s20+$0x10] =	vst v0;
	s20 =	smov.u32 s22  }
0x3f: {  	v1 =	vld [tilespmem:s23+$0x57D0]  }
0x40: {  	v0 =	vld [tilespmem:s23+$0x6BD0]  }
0x41: {  	_ =	sdelay $0x2  }
0x42: {  	[tilespmem:s20+$0xFFFFFFC0] =	vst v1  }
0x43: {  	[tilespmem:s20+$0xFFFFFFF0] =	vst v1  }
0x44: {  	[tilespmem:s20+$0xFFFFFFE0] =	vst v1  }
0x45: {  	[tilespmem:s20+$0xFFFFFFD0] =	vst v1  }
0x46: {  	[tilespmem:s20+$0x30] =	vst v0  }
0x47: {  	s19 =	sadd.s32 $0x1, s19;
	[tilespmem:s20+$0x20] =	vst v0  }
0x48: {  	p0 =	sne.s32 s19, s11;
	[tilespmem:s20+$0x0] =	vst v0  }
.Ltmp2:
0x49: {  	[tilespmem:s20+$0x10] =	vst v0;
	(pc) =	sbr.rel @p0 .LBB2_1-.Ltmp2, $4  }
0x4a: {  	[hbm4b:s10+s3] =	stream.linear.scatter [tilespmem:s18], [sflag:$0x1], $0xA000, $0x38;
	[tilespmem:$0x11FD0] =	vst v63  }
0x4b: {  	_ =	swait.ge [sflag:s13], $0xA000  }
0x4c: {  	[sflag:s13] =	ssyncset.done $0x0  }
0x4d: {  	[sflag:s13] =	ssyncadd.s32 $0xFFFF6000  }
0x4e: {  	_ =	sfence.sel $0x180000  }
0x4f: {  	[bflag:$0x0] =	sbarrier.arrive $0xFFFF  }
0x50: {  	p0 =	sne.s32 s1, $0x0;
	_ =	strace $0x90000047  }
0x51: {  	s0 =	sadd.s32 @!p0 $0x100000, s0;
	[bflag:$0x2] =	sbarrier.arrive $0xFFFF  }
0x52: {  	[sflag:s0] =	ssyncadd.tile.s32 @!p0 $0x1;
	_ =	shalt  }
.Lfunc_end2:
_tile_overlayer_lowered:
.L_overlay_start_2:
0x53: {  	(tag) =	ssettag $0x2  }
0x54: {  	s0 =	rddreg [dreg:$0x0];
	s2 =	stileid.u32  }
0x55: {  	s1 =	rddreg [dreg:$0x1];
	p0 =	sne.s32 s2, $0x0  }
0x56: {  	s3 =	rddreg [dreg:$0x2];
	[bflag:$0x3] =	sbarrier.arrive $0xFFFF;
	s2 =	simm.s32 @!p0 $0x1C01  }
0x57: {  	[timem:s3], [sflag:s2] =	dma.local @!p0 [hbm:s0], s1  }
0x58: {  	s0 =	simm.s32 @!p0 $0x1  }
0x59: {  	_ =	swait.ge @!p0 [sflag:s0], s1  }
0x5a: {  	s1 =	ssub.s32 @!p0 $0x0, s1;
	[sflag:s0] =	ssyncset.done @!p0 $0x0  }
0x5b: {  	[sflag:s0] =	ssyncadd.s32 @!p0 s1  }
0x5c: {  	[bflag:$0x3] =	sbarrier.arrive $0xFFFF  }
0x5d: {  	_ =	shalt  }

</sc_bundles>
